<compile_context>
chip_gen: v7x
topology: tpu7x:2x2x1
jax: 0.10.2.dev20260603
libtpu: 0.0.44.dev20260713+nightly
codegen_flags: <defaults>
</compile_context>

<pallas_src>
import functools

import jax
import jax.numpy as jnp
from jax import lax
from jax.experimental import pallas as pl
from jax.experimental.pallas import tpu as pltpu
from jax.experimental.pallas import tpu_sc as plsc

N = 10000
K = 32
D = 128

N_SC = 2048
N_TC = N - N_SC
BN = 512
BN2 = 512

NC = 2
NS = 16
NW = NC * NS
ROWS_W = N_SC // NW
RCH = 8
NCHUNK = ROWS_W // RCH


def _fused_kernel(x_ref, n_ref, wlt_ref, wrt_ref, b_ref, o_ref):
    nsum = jnp.sum(n_ref[...], axis=1)
    acc = jnp.dot(x_ref[...], wlt_ref[...], preferred_element_type=jnp.float32)
    acc += jnp.dot(nsum * (1.0 / K), wrt_ref[...], preferred_element_type=jnp.float32)
    o_ref[...] = acc + b_ref[...]


def _tail_kernel(x_ref, ns_ref, wlt_ref, wrt_ref, b_ref, alias_ref, o_ref):
    del alias_ref
    acc = jnp.dot(x_ref[...], wlt_ref[...], preferred_element_type=jnp.float32)
    acc += jnp.dot(ns_ref[...] * (1.0 / K), wrt_ref[...], preferred_element_type=jnp.float32)
    o_ref[...] = acc + b_ref[...]


def _sc_body(neigh_hbm, out_hbm, buf, obuf):
    c = lax.axis_index("c")
    s = lax.axis_index("s")
    wid = s * NC + c
    row0 = wid * ROWS_W

    def chunk_body(ch, carry):
        base = pl.multiple_of(row0 + ch * RCH, 8)
        pltpu.sync_copy(neigh_hbm.at[pl.ds(base, RCH)], buf)

        def row_body(r, carry2):
            for c16 in range(D // 16):
                sl = pl.ds(c16 * 16, 16)
                acc = buf[r, 0, sl]
                for k in range(1, K):
                    acc = acc + buf[r, k, sl]
                obuf[r, sl] = acc
            return carry2

        lax.fori_loop(0, RCH, row_body, 0)
        pltpu.sync_copy(obuf, out_hbm.at[pl.ds(base, RCH)])
        return carry

    lax.fori_loop(0, NCHUNK, chunk_body, 0)


_sc_mean = functools.partial(
    pl.kernel,
    mesh=plsc.VectorSubcoreMesh(core_axis_name="c", subcore_axis_name="s"),
    out_type=jax.ShapeDtypeStruct((N_SC, D), jnp.float32),
    scratch_types=[
        pltpu.VMEM((RCH, K, D), jnp.float32),
        pltpu.VMEM((RCH, D), jnp.float32),
    ],
)(_sc_body)


@jax.jit
def kernel(x, neigh_x, W_l, b_l, W_r, b_r):
    wlt = W_l.T
    wrt = W_r.T
    b = (b_l + b_r).reshape(1, D)

    nsum_sc = _sc_mean(neigh_x)

    out1 = pl.pallas_call(
        _fused_kernel,
        grid=(pl.cdiv(N_TC, BN),),
        in_specs=[
            pl.BlockSpec((BN, D), lambda i: (N_SC // BN + i, 0)),
            pl.BlockSpec((BN, K, D), lambda i: (N_SC // BN + i, 0, 0)),
            pl.BlockSpec((D, D), lambda i: (0, 0)),
            pl.BlockSpec((D, D), lambda i: (0, 0)),
            pl.BlockSpec((1, D), lambda i: (0, 0)),
        ],
        out_specs=pl.BlockSpec((BN, D), lambda i: (N_SC // BN + i, 0)),
        out_shape=jax.ShapeDtypeStruct((N, D), jnp.float32),
    )(x, neigh_x, wlt, wrt, b)

    out = pl.pallas_call(
        _tail_kernel,
        grid=(N_SC // BN2,),
        in_specs=[
            pl.BlockSpec((BN2, D), lambda j: (j, 0)),
            pl.BlockSpec((BN2, D), lambda j: (j, 0)),
            pl.BlockSpec((D, D), lambda j: (0, 0)),
            pl.BlockSpec((D, D), lambda j: (0, 0)),
            pl.BlockSpec((1, D), lambda j: (0, 0)),
            pl.BlockSpec(memory_space=pl.ANY),
        ],
        out_specs=pl.BlockSpec((BN2, D), lambda j: (j, 0)),
        out_shape=jax.ShapeDtypeStruct((N, D), jnp.float32),
        input_output_aliases={5: 0},
    )(x, nsum_sc, wlt, wrt, b, out1)
    return out

# --- scband reference (transcript-rebuilt; emitter-appended) ---
"""Pipeline reference for scband-sageaggregator-26465588478211 (READ-ONLY COPY).

The authoritative reference and input builder live on the scoring server;
editing this copy changes nothing except your own understanding.
"""

import jax, jax.numpy as jnp
import numpy as np

N = 10000
K = 32
D_IN = 128
D_OUT = 128

def setup_inputs(seed: int = 0) -> dict:
    key = jax.random.key(seed)
    k1, k2, k3, k4, k5, k6 = jax.random.split(key, 6)
    x = jax.random.normal(k1, (N, D_IN), dtype=jnp.float32)
    neigh_x = jax.random.normal(k2, (N, K, D_IN), dtype=jnp.float32)
    # Linear params, PyTorch-style: weight [out, in], bias [out]
    bound = 1.0 / np.sqrt(D_IN)
    W_l = jax.random.uniform(k3, (D_OUT, D_IN), minval=-bound, maxval=bound, dtype=jnp.float32)
    b_l = jax.random.uniform(k4, (D_OUT,), minval=-bound, maxval=bound, dtype=jnp.float32)
    W_r = jax.random.uniform(k5, (D_OUT, D_IN), minval=-bound, maxval=bound, dtype=jnp.float32)
    b_r = jax.random.uniform(k6, (D_OUT,), minval=-bound, maxval=bound, dtype=jnp.float32)
    return {"x": x, "neigh_x": neigh_x, "W_l": W_l, "b_l": b_l, "W_r": W_r, "b_r": b_r}

def reference(x, neigh_x, W_l, b_l, W_r, b_r):
    # aggr='mean': reduce neighbor axis (dim=1)
    neigh = jnp.mean(neigh_x, axis=1)
    out_self = x @ W_l.T + b_l
    out_neigh = neigh @ W_r.T + b_r
    return out_self + out_neigh

if __name__ == "__main__":
    import jax
    _d = setup_inputs()
    print(jax.jit(kernel)(*tuple(_d.values())))

</pallas_src>

<mosaic_0001>
#map = affine_map<(d0, d1) -> (0, 0, 0)>
#map1 = affine_map<(d0, d1) -> (0, 0)>
module attributes {stable_mosaic.version = 14 : i64} {
  func.func @_sc_body(%arg0: i32, %arg1: i32, %arg2: memref<10000x32x128xf32, #tpu.memory_space<hbm>>, %arg3: memref<2048x128xf32, #tpu.memory_space<hbm>>, %arg4: memref<8x32x128xf32, #tpu.memory_space<vmem>>, %arg5: memref<8x128xf32, #tpu.memory_space<vmem>>) attributes {dimension_semantics = [#tpu.dimension_semantics<core_parallel>, #tpu.dimension_semantics<subcore_parallel>], iteration_bounds = array<i64: 2, 16>, scalar_prefetch = 0 : i64, scratch_operands = 2 : i64, tpu.core_type = #tpu.core_type<sc_vector_subcore>, window_params = [{transform_indices = #map}, {transform_indices = #map1}]} {
    %mul3A = arith.constant 2 : i32
    %mul3A_0 = arith.muli %arg1, %mul3A : i32
    %add3A = arith.addi %mul3A_0, %arg0 : i32
    %mul3A_1 = arith.constant 64 : i32
    %mul3A_2 = arith.muli %add3A, %mul3A_1 : i32
    %scan3A = arith.constant 0 : i32
    %scan3A_3 = arith.constant 0 : i32
    %scan3A_4 = arith.constant 8 : i32
    %scan3A_5 = arith.addi %scan3A_3, %scan3A_4 : i32
    %scan3A_6 = arith.constant 1 : i32
    scf.for %scan3A_8 = %scan3A_3 to %scan3A_5 step %scan3A_6  : i32 {
      %mul3A_9 = arith.constant 8 : i32
      %mul3A_10 = arith.muli %scan3A_8, %mul3A_9 : i32
      %add3A_11 = arith.addi %mul3A_2, %mul3A_10 : i32
      %multiple_of3A = tpu.assume_multiple %add3A_11, 8 : i32
      "tpu.region"() ({
        %run_scoped3A = tpu.sem_alloc : memref<!tpu.dma_semaphore, #tpu.memory_space<semaphore_mem>>
        %dma_start3A = arith.constant 0 : i32
        %dma_start3A_18 = arith.constant 0 : i32
        %dma_start3A_19 = tpu.memref_slice %arg2[%multiple_of3A, %dma_start3A, %dma_start3A_18] : memref<10000x32x128xf32, #tpu.memory_space<hbm>> -> memref<8x32x128xf32, #tpu.memory_space<hbm>>
        %dma_start3A_20 = arith.constant 0 : i32
        %dma_start3A_21 = arith.constant 0 : i32
        %dma_start3A_22 = tpu.memref_slice %arg2[%multiple_of3A, %dma_start3A_20, %dma_start3A_21] : memref<10000x32x128xf32, #tpu.memory_space<hbm>> -> memref<8x32x128xf32, #tpu.memory_space<hbm>>
        tpu.enqueue_dma source(%dma_start3A_22 : memref<8x32x128xf32, #tpu.memory_space<hbm>>) target(%arg4 : memref<8x32x128xf32, #tpu.memory_space<vmem>>) target_semaphore(%run_scoped3A : memref<!tpu.dma_semaphore, #tpu.memory_space<semaphore_mem>>)
        %dma_wait3A = arith.constant 0 : i32
        %dma_wait3A_23 = arith.constant 0 : i32
        %dma_wait3A_24 = tpu.memref_slice %arg2[%multiple_of3A, %dma_wait3A, %dma_wait3A_23] : memref<10000x32x128xf32, #tpu.memory_space<hbm>> -> memref<8x32x128xf32, #tpu.memory_space<hbm>>
        %dma_wait3A_25 = arith.constant 0 : i32
        %dma_wait3A_26 = arith.constant 0 : i32
        %dma_wait3A_27 = tpu.memref_slice %arg2[%multiple_of3A, %dma_wait3A_25, %dma_wait3A_26] : memref<10000x32x128xf32, #tpu.memory_space<hbm>> -> memref<8x32x128xf32, #tpu.memory_space<hbm>>
        tpu.wait_dma2 semaphore(%run_scoped3A : memref<!tpu.dma_semaphore, #tpu.memory_space<semaphore_mem>>) src(%dma_wait3A_27 : memref<8x32x128xf32, #tpu.memory_space<hbm>>) dst(%arg4 : memref<8x32x128xf32, #tpu.memory_space<vmem>>)
        tpu.yield
      }) : () -> ()
      %scan3A_12 = arith.constant 0 : i32
      %scan3A_13 = arith.constant 0 : i32
      %scan3A_14 = arith.constant 8 : i32
      %scan3A_15 = arith.addi %scan3A_13, %scan3A_14 : i32
      %scan3A_16 = arith.constant 1 : i32
      scf.for %scan3A_18 = %scan3A_13 to %scan3A_15 step %scan3A_16  : i32 {
        %get3A = arith.constant 0 : i32
        %get3A_19 = arith.index_cast %scan3A_18 : i32 to index
        %get3A_20 = arith.index_cast %get3A : i32 to index
        %get3A_21 = arith.constant 0 : index
        %get3A_22 = tpu.vector_load %arg4[%get3A_19, %get3A_20, %get3A_21] {strides = array<i32>} : memref<8x32x128xf32, #tpu.memory_space<vmem>>, vector<1x1x16xf32>,
        %get3A_23 = vector.shape_cast %get3A_22 : vector<1x1x16xf32> to vector<16xf32>
        %get3A_24 = arith.constant 1 : i32
        %get3A_25 = arith.index_cast %scan3A_18 : i32 to index
        %get3A_26 = arith.index_cast %get3A_24 : i32 to index
        %get3A_27 = arith.constant 0 : index
        %get3A_28 = tpu.vector_load %arg4[%get3A_25, %get3A_26, %get3A_27] {strides = array<i32>} : memref<8x32x128xf32, #tpu.memory_space<vmem>>, vector<1x1x16xf32>,
        %get3A_29 = vector.shape_cast %get3A_28 : vector<1x1x16xf32> to vector<16xf32>
        %add3A_30 = arith.addf %get3A_23, %get3A_29 : vector<16xf32>
        %get3A_31 = arith.constant 2 : i32
        %get3A_32 = arith.index_cast %scan3A_18 : i32 to index
        %get3A_33 = arith.index_cast %get3A_31 : i32 to index
        %get3A_34 = arith.constant 0 : index
        %get3A_35 = tpu.vector_load %arg4[%get3A_32, %get3A_33, %get3A_34] {strides = array<i32>} : memref<8x32x128xf32, #tpu.memory_space<vmem>>, vector<1x1x16xf32>,
        %get3A_36 = vector.shape_cast %get3A_35 : vector<1x1x16xf32> to vector<16xf32>
        %add3A_37 = arith.addf %add3A_30, %get3A_36 : vector<16xf32>
        %get3A_38 = arith.constant 3 : i32
        %get3A_39 = arith.index_cast %scan3A_18 : i32 to index
        %get3A_40 = arith.index_cast %get3A_38 : i32 to index
        %get3A_41 = arith.constant 0 : index
        %get3A_42 = tpu.vector_load %arg4[%get3A_39, %get3A_40, %get3A_41] {strides = array<i32>} : memref<8x32x128xf32, #tpu.memory_space<vmem>>, vector<1x1x16xf32>,
        %get3A_43 = vector.shape_cast %get3A_42 : vector<1x1x16xf32> to vector<16xf32>
        %add3A_44 = arith.addf %add3A_37, %get3A_43 : vector<16xf32>
        %get3A_45 = arith.constant 4 : i32
        %get3A_46 = arith.index_cast %scan3A_18 : i32 to index
        %get3A_47 = arith.index_cast %get3A_45 : i32 to index
        %get3A_48 = arith.constant 0 : index
        %get3A_49 = tpu.vector_load %arg4[%get3A_46, %get3A_47, %get3A_48] {strides = array<i32>} : memref<8x32x128xf32, #tpu.memory_space<vmem>>, vector<1x1x16xf32>,
        %get3A_50 = vector.shape_cast %get3A_49 : vector<1x1x16xf32> to vector<16xf32>
        %add3A_51 = arith.addf %add3A_44, %get3A_50 : vector<16xf32>
        %get3A_52 = arith.constant 5 : i32
        %get3A_53 = arith.index_cast %scan3A_18 : i32 to index
        %get3A_54 = arith.index_cast %get3A_52 : i32 to index
        %get3A_55 = arith.constant 0 : index
        %get3A_56 = tpu.vector_load %arg4[%get3A_53, %get3A_54, %get3A_55] {strides = array<i32>} : memref<8x32x128xf32, #tpu.memory_space<vmem>>, vector<1x1x16xf32>,
        %get3A_57 = vector.shape_cast %get3A_56 : vector<1x1x16xf32> to vector<16xf32>
        %add3A_58 = arith.addf %add3A_51, %get3A_57 : vector<16xf32>
        %get3A_59 = arith.constant 6 : i32
        %get3A_60 = arith.index_cast %scan3A_18 : i32 to index
        %get3A_61 = arith.index_cast %get3A_59 : i32 to index
        %get3A_62 = arith.constant 0 : index
        %get3A_63 = tpu.vector_load %arg4[%get3A_60, %get3A_61, %get3A_62] {strides = array<i32>} : memref<8x32x128xf32, #tpu.memory_space<vmem>>, vector<1x1x16xf32>,
        %get3A_64 = vector.shape_cast %get3A_63 : vector<1x1x16xf32> to vector<16xf32>
        %add3A_65 = arith.addf %add3A_58, %get3A_64 : vector<16xf32>
        %get3A_66 = arith.constant 7 : i32
        %get3A_67 = arith.index_cast %scan3A_18 : i32 to index
        %get3A_68 = arith.index_cast %get3A_66 : i32 to index
        %get3A_69 = arith.constant 0 : index
        %get3A_70 = tpu.vector_load %arg4[%get3A_67, %get3A_68, %get3A_69] {strides = array<i32>} : memref<8x32x128xf32, #tpu.memory_space<vmem>>, vector<1x1x16xf32>,
        %get3A_71 = vector.shape_cast %get3A_70 : vector<1x1x16xf32> to vector<16xf32>
        %add3A_72 = arith.addf %add3A_65, %get3A_71 : vector<16xf32>
        %get3A_73 = arith.constant 8 : i32
        %get3A_74 = arith.index_cast %scan3A_18 : i32 to index
        %get3A_75 = arith.index_cast %get3A_73 : i32 to index
        %get3A_76 = arith.constant 0 : index
        %get3A_77 = tpu.vector_load %arg4[%get3A_74, %get3A_75, %get3A_76] {strides = array<i32>} : memref<8x32x128xf32, #tpu.memory_space<vmem>>, vector<1x1x16xf32>,
        %get3A_78 = vector.shape_cast %get3A_77 : vector<1x1x16xf32> to vector<16xf32>
        %add3A_79 = arith.addf %add3A_72, %get3A_78 : vector<16xf32>
        %get3A_80 = arith.constant 9 : i32
        %get3A_81 = arith.index_cast %scan3A_18 : i32 to index
        %get3A_82 = arith.index_cast %get3A_80 : i32 to index
        %get3A_83 = arith.constant 0 : index
        %get3A_84 = tpu.vector_load %arg4[%get3A_81, %get3A_82, %get3A_83] {strides = array<i32>} : memref<8x32x128xf32, #tpu.memory_space<vmem>>, vector<1x1x16xf32>,
        %get3A_85 = vector.shape_cast %get3A_84 : vector<1x1x16xf32> to vector<16xf32>
        %add3A_86 = arith.addf %add3A_79, %get3A_85 : vector<16xf32>
        %get3A_87 = arith.constant 10 : i32
        %get3A_88 = arith.index_cast %scan3A_18 : i32 to index
        %get3A_89 = arith.index_cast %get3A_87 : i32 to index
        %get3A_90 = arith.constant 0 : index
        %get3A_91 = tpu.vector_load %arg4[%get3A_88, %get3A_89, %get3A_90] {strides = array<i32>} : memref<8x32x128xf32, #tpu.memory_space<vmem>>, vector<1x1x16xf32>,
        %get3A_92 = vector.shape_cast %get3A_91 : vector<1x1x16xf32> to vector<16xf32>
        %add3A_93 = arith.addf %add3A_86, %get3A_92 : vector<16xf32>
        %get3A_94 = arith.constant 11 : i32
        %get3A_95 = arith.index_cast %scan3A_18 : i32 to index
        %get3A_96 = arith.index_cast %get3A_94 : i32 to index
        %get3A_97 = arith.constant 0 : index
        %get3A_98 = tpu.vector_load %arg4[%get3A_95, %get3A_96, %get3A_97] {strides = array<i32>} : memref<8x32x128xf32, #tpu.memory_space<vmem>>, vector<1x1x16xf32>,
        %get3A_99 = vector.shape_cast %get3A_98 : vector<1x1x16xf32> to vector<16xf32>
        %add3A_100 = arith.addf %add3A_93, %get3A_99 : vector<16xf32>
        %get3A_101 = arith.constant 12 : i32
        %get3A_102 = arith.index_cast %scan3A_18 : i32 to index
        %get3A_103 = arith.index_cast %get3A_101 : i32 to index
        %get3A_104 = arith.constant 0 : index
        %get3A_105 = tpu.vector_load %arg4[%get3A_102, %get3A_103, %get3A_104] {strides = array<i32>} : memref<8x32x128xf32, #tpu.memory_space<vmem>>, vector<1x1x16xf32>,
        %get3A_106 = vector.shape_cast %get3A_105 : vector<1x1x16xf32> to vector<16xf32>
        %add3A_107 = arith.addf %add3A_100, %get3A_106 : vector<16xf32>
        %get3A_108 = arith.constant 13 : i32
        %get3A_109 = arith.index_cast %scan3A_18 : i32 to index
        %get3A_110 = arith.index_cast %get3A_108 : i32 to index
        %get3A_111 = arith.constant 0 : index
        %get3A_112 = tpu.vector_load %arg4[%get3A_109, %get3A_110, %get3A_111] {strides = array<i32>} : memref<8x32x128xf32, #tpu.memory_space<vmem>>, vector<1x1x16xf32>,
        %get3A_113 = vector.shape_cast %get3A_112 : vector<1x1x16xf32> to vector<16xf32>
        %add3A_114 = arith.addf %add3A_107, %get3A_113 : vector<16xf32>
        %get3A_115 = arith.constant 14 : i32
        %get3A_116 = arith.index_cast %scan3A_18 : i32 to index
        %get3A_117 = arith.index_cast %get3A_115 : i32 to index
        %get3A_118 = arith.constant 0 : index
        %get3A_119 = tpu.vector_load %arg4[%get3A_116, %get3A_117, %get3A_118] {strides = array<i32>} : memref<8x32x128xf32, #tpu.memory_space<vmem>>, vector<1x1x16xf32>,
        %get3A_120 = vector.shape_cast %get3A_119 : vector<1x1x16xf32> to vector<16xf32>
        %add3A_121 = arith.addf %add3A_114, %get3A_120 : vector<16xf32>
        %get3A_122 = arith.constant 15 : i32
        %get3A_123 = arith.index_cast %scan3A_18 : i32 to index
        %get3A_124 = arith.index_cast %get3A_122 : i32 to index
        %get3A_125 = arith.constant 0 : index
        %get3A_126 = tpu.vector_load %arg4[%get3A_123, %get3A_124, %get3A_125] {strides = array<i32>} : memref<8x32x128xf32, #tpu.memory_space<vmem>>, vector<1x1x16xf32>,
        %get3A_127 = vector.shape_cast %get3A_126 : vector<1x1x16xf32> to vector<16xf32>
        %add3A_128 = arith.addf %add3A_121, %get3A_127 : vector<16xf32>
        %get3A_129 = arith.constant 16 : i32
        %get3A_130 = arith.index_cast %scan3A_18 : i32 to index
        %get3A_131 = arith.index_cast %get3A_129 : i32 to index
        %get3A_132 = arith.constant 0 : index
        %get3A_133 = tpu.vector_load %arg4[%get3A_130, %get3A_131, %get3A_132] {strides = array<i32>} : memref<8x32x128xf32, #tpu.memory_space<vmem>>, vector<1x1x16xf32>,
        %get3A_134 = vector.shape_cast %get3A_133 : vector<1x1x16xf32> to vector<16xf32>
        %add3A_135 = arith.addf %add3A_128, %get3A_134 : vector<16xf32>
        %get3A_136 = arith.constant 17 : i32
        %get3A_137 = arith.index_cast %scan3A_18 : i32 to index
        %get3A_138 = arith.index_cast %get3A_136 : i32 to index
        %get3A_139 = arith.constant 0 : index
        %get3A_140 = tpu.vector_load %arg4[%get3A_137, %get3A_138, %get3A_139] {strides = array<i32>} : memref<8x32x128xf32, #tpu.memory_space<vmem>>, vector<1x1x16xf32>,
        %get3A_141 = vector.shape_cast %get3A_140 : vector<1x1x16xf32> to vector<16xf32>
        %add3A_142 = arith.addf %add3A_135, %get3A_141 : vector<16xf32>
        %get3A_143 = arith.constant 18 : i32
        %get3A_144 = arith.index_cast %scan3A_18 : i32 to index
        %get3A_145 = arith.index_cast %get3A_143 : i32 to index
        %get3A_146 = arith.constant 0 : index
        %get3A_147 = tpu.vector_load %arg4[%get3A_144, %get3A_145, %get3A_146] {strides = array<i32>} : memref<8x32x128xf32, #tpu.memory_space<vmem>>, vector<1x1x16xf32>,
        %get3A_148 = vector.shape_cast %get3A_147 : vector<1x1x16xf32> to vector<16xf32>
        %add3A_149 = arith.addf %add3A_142, %get3A_148 : vector<16xf32>
        %get3A_150 = arith.constant 19 : i32
        %get3A_151 = arith.index_cast %scan3A_18 : i32 to index
        %get3A_152 = arith.index_cast %get3A_150 : i32 to index
        %get3A_153 = arith.constant 0 : index
        %get3A_154 = tpu.vector_load %arg4[%get3A_151, %get3A_152, %get3A_153] {strides = array<i32>} : memref<8x32x128xf32, #tpu.memory_space<vmem>>, vector<1x1x16xf32>,
        %get3A_155 = vector.shape_cast %get3A_154 : vector<1x1x16xf32> to vector<16xf32>
        %add3A_156 = arith.addf %add3A_149, %get3A_155 : vector<16xf32>
        %get3A_157 = arith.constant 20 : i32
        %get3A_158 = arith.index_cast %scan3A_18 : i32 to index
        %get3A_159 = arith.index_cast %get3A_157 : i32 to index
        %get3A_160 = arith.constant 0 : index
        %get3A_161 = tpu.vector_load %arg4[%get3A_158, %get3A_159, %get3A_160] {strides = array<i32>} : memref<8x32x128xf32, #tpu.memory_space<vmem>>, vector<1x1x16xf32>,
        %get3A_162 = vector.shape_cast %get3A_161 : vector<1x1x16xf32> to vector<16xf32>
        %add3A_163 = arith.addf %add3A_156, %get3A_162 : vector<16xf32>
        %get3A_164 = arith.constant 21 : i32
        %get3A_165 = arith.index_cast %scan3A_18 : i32 to index
        %get3A_166 = arith.index_cast %get3A_164 : i32 to index
        %get3A_167 = arith.constant 0 : index
        %get3A_168 = tpu.vector_load %arg4[%get3A_165, %get3A_166, %get3A_167] {strides = array<i32>} : memref<8x32x128xf32, #tpu.memory_space<vmem>>, vector<1x1x16xf32>,
        %get3A_169 = vector.shape_cast %get3A_168 : vector<1x1x16xf32> to vector<16xf32>
        %add3A_170 = arith.addf %add3A_163, %get3A_169 : vector<16xf32>
        %get3A_171 = arith.constant 22 : i32
        %get3A_172 = arith.index_cast %scan3A_18 : i32 to index
        %get3A_173 = arith.index_cast %get3A_171 : i32 to index
        %get3A_174 = arith.constant 0 : index
        %get3A_175 = tpu.vector_load %arg4[%get3A_172, %get3A_173, %get3A_174] {strides = array<i32>} : memref<8x32x128xf32, #tpu.memory_space<vmem>>, vector<1x1x16xf32>,
        %get3A_176 = vector.shape_cast %get3A_175 : vector<1x1x16xf32> to vector<16xf32>
        %add3A_177 = arith.addf %add3A_170, %get3A_176 : vector<16xf32>
        %get3A_178 = arith.constant 23 : i32
        %get3A_179 = arith.index_cast %scan3A_18 : i32 to index
        %get3A_180 = arith.index_cast %get3A_178 : i32 to index
        %get3A_181 = arith.constant 0 : index
        %get3A_182 = tpu.vector_load %arg4[%get3A_179, %get3A_180, %get3A_181] {strides = array<i32>} : memref<8x32x128xf32, #tpu.memory_space<vmem>>, vector<1x1x16xf32>,
        %get3A_183 = vector.shape_cast %get3A_182 : vector<1x1x16xf32> to vector<16xf32>
        %add3A_184 = arith.addf %add3A_177, %get3A_183 : vector<16xf32>
        %get3A_185 = arith.constant 24 : i32
        %get3A_186 = arith.index_cast %scan3A_18 : i32 to index
        %get3A_187 = arith.index_cast %get3A_185 : i32 to index
        %get3A_188 = arith.constant 0 : index
        %get3A_189 = tpu.vector_load %arg4[%get3A_186, %get3A_187, %get3A_188] {strides = array<i32>} : memref<8x32x128xf32, #tpu.memory_space<vmem>>, vector<1x1x16xf32>,
        %get3A_190 = vector.shape_cast %get3A_189 : vector<1x1x16xf32> to vector<16xf32>
        %add3A_191 = arith.addf %add3A_184, %get3A_190 : vector<16xf32>
        %get3A_192 = arith.constant 25 : i32
        %get3A_193 = arith.index_cast %scan3A_18 : i32 to index
        %get3A_194 = arith.index_cast %get3A_192 : i32 to index
        %get3A_195 = arith.constant 0 : index
        %get3A_196 = tpu.vector_load %arg4[%get3A_193, %get3A_194, %get3A_195] {strides = array<i32>} : memref<8x32x128xf32, #tpu.memory_space<vmem>>, vector<1x1x16xf32>,
        %get3A_197 = vector.shape_cast %get3A_196 : vector<1x1x16xf32> to vector<16xf32>
        %add3A_198 = arith.addf %add3A_191, %get3A_197 : vector<16xf32>
        %get3A_199 = arith.constant 26 : i32
        %get3A_200 = arith.index_cast %scan3A_18 : i32 to index
        %get3A_201 = arith.index_cast %get3A_199 : i32 to index
        %get3A_202 = arith.constant 0 : index
        %get3A_203 = tpu.vector_load %arg4[%get3A_200, %get3A_201, %get3A_202] {strides = array<i32>} : memref<8x32x128xf32, #tpu.memory_space<vmem>>, vector<1x1x16xf32>,
        %get3A_204 = vector.shape_cast %get3A_203 : vector<1x1x16xf32> to vector<16xf32>
        %add3A_205 = arith.addf %add3A_198, %get3A_204 : vector<16xf32>
        %get3A_206 = arith.constant 27 : i32
        %get3A_207 = arith.index_cast %scan3A_18 : i32 to index
        %get3A_208 = arith.index_cast %get3A_206 : i32 to index
        %get3A_209 = arith.constant 0 : index
        %get3A_210 = tpu.vector_load %arg4[%get3A_207, %get3A_208, %get3A_209] {strides = array<i32>} : memref<8x32x128xf32, #tpu.memory_space<vmem>>, vector<1x1x16xf32>,
        %get3A_211 = vector.shape_cast %get3A_210 : vector<1x1x16xf32> to vector<16xf32>
        %add3A_212 = arith.addf %add3A_205, %get3A_211 : vector<16xf32>
        %get3A_213 = arith.constant 28 : i32
        %get3A_214 = arith.index_cast %scan3A_18 : i32 to index
        %get3A_215 = arith.index_cast %get3A_213 : i32 to index
        %get3A_216 = arith.constant 0 : index
        %get3A_217 = tpu.vector_load %arg4[%get3A_214, %get3A_215, %get3A_216] {strides = array<i32>} : memref<8x32x128xf32, #tpu.memory_space<vmem>>, vector<1x1x16xf32>,
        %get3A_218 = vector.shape_cast %get3A_217 : vector<1x1x16xf32> to vector<16xf32>
        %add3A_219 = arith.addf %add3A_212, %get3A_218 : vector<16xf32>
        %get3A_220 = arith.constant 29 : i32
        %get3A_221 = arith.index_cast %scan3A_18 : i32 to index
        %get3A_222 = arith.index_cast %get3A_220 : i32 to index
        %get3A_223 = arith.constant 0 : index
        %get3A_224 = tpu.vector_load %arg4[%get3A_221, %get3A_222, %get3A_223] {strides = array<i32>} : memref<8x32x128xf32, #tpu.memory_space<vmem>>, vector<1x1x16xf32>,
        %get3A_225 = vector.shape_cast %get3A_224 : vector<1x1x16xf32> to vector<16xf32>
        %add3A_226 = arith.addf %add3A_219, %get3A_225 : vector<16xf32>
        %get3A_227 = arith.constant 30 : i32
        %get3A_228 = arith.index_cast %scan3A_18 : i32 to index
        %get3A_229 = arith.index_cast %get3A_227 : i32 to index
        %get3A_230 = arith.constant 0 : index
        %get3A_231 = tpu.vector_load %arg4[%get3A_228, %get3A_229, %get3A_230] {strides = array<i32>} : memref<8x32x128xf32, #tpu.memory_space<vmem>>, vector<1x1x16xf32>,
        %get3A_232 = vector.shape_cast %get3A_231 : vector<1x1x16xf32> to vector<16xf32>
        %add3A_233 = arith.addf %add3A_226, %get3A_232 : vector<16xf32>
        %get3A_234 = arith.constant 31 : i32
        %get3A_235 = arith.index_cast %scan3A_18 : i32 to index
        %get3A_236 = arith.index_cast %get3A_234 : i32 to index
        %get3A_237 = arith.constant 0 : index
        %get3A_238 = tpu.vector_load %arg4[%get3A_235, %get3A_236, %get3A_237] {strides = array<i32>} : memref<8x32x128xf32, #tpu.memory_space<vmem>>, vector<1x1x16xf32>,
        %get3A_239 = vector.shape_cast %get3A_238 : vector<1x1x16xf32> to vector<16xf32>
        %add3A_240 = arith.addf %add3A_233, %get3A_239 : vector<16xf32>
        %swap3A = arith.index_cast %scan3A_18 : i32 to index
        %swap3A_241 = arith.constant 0 : index
        %swap3A_242 = tpu.vector_load %arg5[%swap3A, %swap3A_241] {strides = array<i32>} : memref<8x128xf32, #tpu.memory_space<vmem>>, vector<1x16xf32>,
        %swap3A_243 = vector.shape_cast %swap3A_242 : vector<1x16xf32> to vector<16xf32>
        %swap3A_244 = vector.shape_cast %add3A_240 : vector<16xf32> to vector<1x16xf32>
        tpu.vector_store %arg5[%swap3A, %swap3A_241], %swap3A_244 {strides = array<i32>} : memref<8x128xf32, #tpu.memory_space<vmem>>, vector<1x16xf32>,
        %get3A_245 = arith.constant 0 : i32
        %get3A_246 = arith.index_cast %scan3A_18 : i32 to index
        %get3A_247 = arith.index_cast %get3A_245 : i32 to index
        %get3A_248 = arith.constant 16 : index
        %get3A_249 = tpu.vector_load %arg4[%get3A_246, %get3A_247, %get3A_248] {strides = array<i32>} : memref<8x32x128xf32, #tpu.memory_space<vmem>>, vector<1x1x16xf32>,
        %get3A_250 = vector.shape_cast %get3A_249 : vector<1x1x16xf32> to vector<16xf32>
        %get3A_251 = arith.constant 1 : i32
        %get3A_252 = arith.index_cast %scan3A_18 : i32 to index
        %get3A_253 = arith.index_cast %get3A_251 : i32 to index
        %get3A_254 = arith.constant 16 : index
        %get3A_255 = tpu.vector_load %arg4[%get3A_252, %get3A_253, %get3A_254] {strides = array<i32>} : memref<8x32x128xf32, #tpu.memory_space<vmem>>, vector<1x1x16xf32>,
        %get3A_256 = vector.shape_cast %get3A_255 : vector<1x1x16xf32> to vector<16xf32>
        %add3A_257 = arith.addf %get3A_250, %get3A_256 : vector<16xf32>
        %get3A_258 = arith.constant 2 : i32
        %get3A_259 = arith.index_cast %scan3A_18 : i32 to index
        %get3A_260 = arith.index_cast %get3A_258 : i32 to index
        %get3A_261 = arith.constant 16 : index
        %get3A_262 = tpu.vector_load %arg4[%get3A_259, %get3A_260, %get3A_261] {strides = array<i32>} : memref<8x32x128xf32, #tpu.memory_space<vmem>>, vector<1x1x16xf32>,
        %get3A_263 = vector.shape_cast %get3A_262 : vector<1x1x16xf32> to vector<16xf32>
        %add3A_264 = arith.addf %add3A_257, %get3A_263 : vector<16xf32>
        %get3A_265 = arith.constant 3 : i32
        %get3A_266 = arith.index_cast %scan3A_18 : i32 to index
        %get3A_267 = arith.index_cast %get3A_265 : i32 to index
        %get3A_268 = arith.constant 16 : index
        %get3A_269 = tpu.vector_load %arg4[%get3A_266, %get3A_267, %get3A_268] {strides = array<i32>} : memref<8x32x128xf32, #tpu.memory_space<vmem>>, vector<1x1x16xf32>,
        %get3A_270 = vector.shape_cast %get3A_269 : vector<1x1x16xf32> to vector<16xf32>
        %add3A_271 = arith.addf %add3A_264, %get3A_270 : vector<16xf32>
        %get3A_272 = arith.constant 4 : i32
        %get3A_273 = arith.index_cast %scan3A_18 : i32 to index
        %get3A_274 = arith.index_cast %get3A_272 : i32 to index
        %get3A_275 = arith.constant 16 : index
        %get3A_276 = tpu.vector_load %arg4[%get3A_273, %get3A_274, %get3A_275] {strides = array<i32>} : memref<8x32x128xf32, #tpu.memory_space<vmem>>, vector<1x1x16xf32>,
        %get3A_277 = vector.shape_cast %get3A_276 : vector<1x1x16xf32> to vector<16xf32>
        %add3A_278 = arith.addf %add3A_271, %get3A_277 : vector<16xf32>
        %get3A_279 = arith.constant 5 : i32
        %get3A_280 = arith.index_cast %scan3A_18 : i32 to index
        %get3A_281 = arith.index_cast %get3A_279 : i32 to index
        %get3A_282 = arith.constant 16 : index
        %get3A_283 = tpu.vector_load %arg4[%get3A_280, %get3A_281, %get3A_282] {strides = array<i32>} : memref<8x32x128xf32, #tpu.memory_space<vmem>>, vector<1x1x16xf32>,
        %get3A_284 = vector.shape_cast %get3A_283 : vector<1x1x16xf32> to vector<16xf32>
        %add3A_285 = arith.addf %add3A_278, %get3A_284 : vector<16xf32>
        %get3A_286 = arith.constant 6 : i32
        %get3A_287 = arith.index_cast %scan3A_18 : i32 to index
        %get3A_288 = arith.index_cast %get3A_286 : i32 to index
        %get3A_289 = arith.constant 16 : index
        %get3A_290 = tpu.vector_load %arg4[%get3A_287, %get3A_288, %get3A_289] {strides = array<i32>} : memref<8x32x128xf32, #tpu.memory_space<vmem>>, vector<1x1x16xf32>,
        %get3A_291 = vector.shape_cast %get3A_290 : vector<1x1x16xf32> to vector<16xf32>
        %add3A_292 = arith.addf %add3A_285, %get3A_291 : vector<16xf32>
        %get3A_293 = arith.constant 7 : i32
        %get3A_294 = arith.index_cast %scan3A_18 : i32 to index
        %get3A_295 = arith.index_cast %get3A_293 : i32 to index
        %get3A_296 = arith.constant 16 : index
        %get3A_297 = tpu.vector_load %arg4[%get3A_294, %get3A_295, %get3A_296] {strides = array<i32>} : memref<8x32x128xf32, #tpu.memory_space<vmem>>, vector<1x1x16xf32>,
        %get3A_298 = vector.shape_cast %get3A_297 : vector<1x1x16xf32> to vector<16xf32>
        %add3A_299 = arith.addf %add3A_292, %get3A_298 : vector<16xf32>
        %get3A_300 = arith.constant 8 : i32
        %get3A_301 = arith.index_cast %scan3A_18 : i32 to index
        %get3A_302 = arith.index_cast %get3A_300 : i32 to index
        %get3A_303 = arith.constant 16 : index
        %get3A_304 = tpu.vector_load %arg4[%get3A_301, %get3A_302, %get3A_303] {strides = array<i32>} : memref<8x32x128xf32, #tpu.memory_space<vmem>>, vector<1x1x16xf32>,
        %get3A_305 = vector.shape_cast %get3A_304 : vector<1x1x16xf32> to vector<16xf32>
        %add3A_306 = arith.addf %add3A_299, %get3A_305 : vector<16xf32>
        %get3A_307 = arith.constant 9 : i32
        %get3A_308 = arith.index_cast %scan3A_18 : i32 to index
        %get3A_309 = arith.index_cast %get3A_307 : i32 to index
        %get3A_310 = arith.constant 16 : index
        %get3A_311 = tpu.vector_load %arg4[%get3A_308, %get3A_309, %get3A_310] {strides = array<i32>} : memref<8x32x128xf32, #tpu.memory_space<vmem>>, vector<1x1x16xf32>,
        %get3A_312 = vector.shape_cast %get3A_311 : vector<1x1x16xf32> to vector<16xf32>
        %add3A_313 = arith.addf %add3A_306, %get3A_312 : vector<16xf32>
        %get3A_314 = arith.constant 10 : i32
        %get3A_315 = arith.index_cast %scan3A_18 : i32 to index
        %get3A_316 = arith.index_cast %get3A_314 : i32 to index
        %get3A_317 = arith.constant 16 : index
        %get3A_318 = tpu.vector_load %arg4[%get3A_315, %get3A_316, %get3A_317] {strides = array<i32>} : memref<8x32x128xf32, #tpu.memory_space<vmem>>, vector<1x1x16xf32>,
        %get3A_319 = vector.shape_cast %get3A_318 : vector<1x1x16xf32> to vector<16xf32>
        %add3A_320 = arith.addf %add3A_313, %get3A_319 : vector<16xf32>
        %get3A_321 = arith.constant 11 : i32
        %get3A_322 = arith.index_cast %scan3A_18 : i32 to index
        %get3A_323 = arith.index_cast %get3A_321 : i32 to index
        %get3A_324 = arith.constant 16 : index
        %get3A_325 = tpu.vector_load %arg4[%get3A_322, %get3A_323, %get3A_324] {strides = array<i32>} : memref<8x32x128xf32, #tpu.memory_space<vmem>>, vector<1x1x16xf32>,
        %get3A_326 = vector.shape_cast %get3A_325 : vector<1x1x16xf32> to vector<16xf32>
        %add3A_327 = arith.addf %add3A_320, %get3A_326 : vector<16xf32>
        %get3A_328 = arith.constant 12 : i32
        %get3A_329 = arith.index_cast %scan3A_18 : i32 to index
        %get3A_330 = arith.index_cast %get3A_328 : i32 to index
        %get3A_331 = arith.constant 16 : index
        %get3A_332 = tpu.vector_load %arg4[%get3A_329, %get3A_330, %get3A_331] {strides = array<i32>} : memref<8x32x128xf32, #tpu.memory_space<vmem>>, vector<1x1x16xf32>,
        %get3A_333 = vector.shape_cast %get3A_332 : vector<1x1x16xf32> to vector<16xf32>
        %add3A_334 = arith.addf %add3A_327, %get3A_333 : vector<16xf32>
        %get3A_335 = arith.constant 13 : i32
        %get3A_336 = arith.index_cast %scan3A_18 : i32 to index
        %get3A_337 = arith.index_cast %get3A_335 : i32 to index
        %get3A_338 = arith.constant 16 : index
        %get3A_339 = tpu.vector_load %arg4[%get3A_336, %get3A_337, %get3A_338] {strides = array<i32>} : memref<8x32x128xf32, #tpu.memory_space<vmem>>, vector<1x1x16xf32>,
        %get3A_340 = vector.shape_cast %get3A_339 : vector<1x1x16xf32> to vector<16xf32>
        %add3A_341 = arith.addf %add3A_334, %get3A_340 : vector<16xf32>
        %get3A_342 = arith.constant 14 : i32
        %get3A_343 = arith.index_cast %scan3A_18 : i32 to index
        %get3A_344 = arith.index_cast %get3A_342 : i32 to index
        %get3A_345 = arith.constant 16 : index
        %get3A_346 = tpu.vector_load %arg4[%get3A_343, %get3A_344, %get3A_345] {strides = array<i32>} : memref<8x32x128xf32, #tpu.memory_space<vmem>>, vector<1x1x16xf32>,
        %get3A_347 = vector.shape_cast %get3A_346 : vector<1x1x16xf32> to vector<16xf32>
        %add3A_348 = arith.addf %add3A_341, %get3A_347 : vector<16xf32>
        %get3A_349 = arith.constant 15 : i32
        %get3A_350 = arith.index_cast %scan3A_18 : i32 to index
        %get3A_351 = arith.index_cast %get3A_349 : i32 to index
        %get3A_352 = arith.constant 16 : index
        %get3A_353 = tpu.vector_load %arg4[%get3A_350, %get3A_351, %get3A_352] {strides = array<i32>} : memref<8x32x128xf32, #tpu.memory_space<vmem>>, vector<1x1x16xf32>,
        %get3A_354 = vector.shape_cast %get3A_353 : vector<1x1x16xf32> to vector<16xf32>
        %add3A_355 = arith.addf %add3A_348, %get3A_354 : vector<16xf32>
        %get3A_356 = arith.constant 16 : i32
        %get3A_357 = arith.index_cast %scan3A_18 : i32 to index
        %get3A_358 = arith.index_cast %get3A_356 : i32 to index
        %get3A_359 = arith.constant 16 : index
        %get3A_360 = tpu.vector_load %arg4[%get3A_357, %get3A_358, %get3A_359] {strides = array<i32>} : memref<8x32x128xf32, #tpu.memory_space<vmem>>, vector<1x1x16xf32>,
        %get3A_361 = vector.shape_cast %get3A_360 : vector<1x1x16xf32> to vector<16xf32>
        %add3A_362 = arith.addf %add3A_355, %get3A_361 : vector<16xf32>
        %get3A_363 = arith.constant 17 : i32
        %get3A_364 = arith.index_cast %scan3A_18 : i32 to index
        %get3A_365 = arith.index_cast %get3A_363 : i32 to index
        %get3A_366 = arith.constant 16 : index
        %get3A_367 = tpu.vector_load %arg4[%get3A_364, %get3A_365, %get3A_366] {strides = array<i32>} : memref<8x32x128xf32, #tpu.memory_space<vmem>>, vector<1x1x16xf32>,
        %get3A_368 = vector.shape_cast %get3A_367 : vector<1x1x16xf32> to vector<16xf32>
        %add3A_369 = arith.addf %add3A_362, %get3A_368 : vector<16xf32>
        %get3A_370 = arith.constant 18 : i32
        %get3A_371 = arith.index_cast %scan3A_18 : i32 to index
        %get3A_372 = arith.index_cast %get3A_370 : i32 to index
        %get3A_373 = arith.constant 16 : index
        %get3A_374 = tpu.vector_load %arg4[%get3A_371, %get3A_372, %get3A_373] {strides = array<i32>} : memref<8x32x128xf32, #tpu.memory_space<vmem>>, vector<1x1x16xf32>,
        %get3A_375 = vector.shape_cast %get3A_374 : vector<1x1x16xf32> to vector<16xf32>
        %add3A_376 = arith.addf %add3A_369, %get3A_375 : vector<16xf32>
        %get3A_377 = arith.constant 19 : i32
        %get3A_378 = arith.index_cast %scan3A_18 : i32 to index
        %get3A_379 = arith.index_cast %get3A_377 : i32 to index
        %get3A_380 = arith.constant 16 : index
        %get3A_381 = tpu.vector_load %arg4[%get3A_378, %get3A_379, %get3A_380] {strides = array<i32>} : memref<8x32x128xf32, #tpu.memory_space<vmem>>, vector<1x1x16xf32>,
        %get3A_382 = vector.shape_cast %get3A_381 : vector<1x1x16xf32> to vector<16xf32>
        %add3A_383 = arith.addf %add3A_376, %get3A_382 : vector<16xf32>
        %get3A_384 = arith.constant 20 : i32
        %get3A_385 = arith.index_cast %scan3A_18 : i32 to index
        %get3A_386 = arith.index_cast %get3A_384 : i32 to index
        %get3A_387 = arith.constant 16 : index
        %get3A_388 = tpu.vector_load %arg4[%get3A_385, %get3A_386, %get3A_387] {strides = array<i32>} : memref<8x32x128xf32, #tpu.memory_space<vmem>>, vector<1x1x16xf32>,
        %get3A_389 = vector.shape_cast %get3A_388 : vector<1x1x16xf32> to vector<16xf32>
        %add3A_390 = arith.addf %add3A_383, %get3A_389 : vector<16xf32>
        %get3A_391 = arith.constant 21 : i32
        %get3A_392 = arith.index_cast %scan3A_18 : i32 to index
        %get3A_393 = arith.index_cast %get3A_391 : i32 to index
        %get3A_394 = arith.constant 16 : index
        %get3A_395 = tpu.vector_load %arg4[%get3A_392, %get3A_393, %get3A_394] {strides = array<i32>} : memref<8x32x128xf32, #tpu.memory_space<vmem>>, vector<1x1x16xf32>,
        %get3A_396 = vector.shape_cast %get3A_395 : vector<1x1x16xf32> to vector<16xf32>
        %add3A_397 = arith.addf %add3A_390, %get3A_396 : vector<16xf32>
        %get3A_398 = arith.constant 22 : i32
        %get3A_399 = arith.index_cast %scan3A_18 : i32 to index
        %get3A_400 = arith.index_cast %get3A_398 : i32 to index
        %get3A_401 = arith.constant 16 : index
        %get3A_402 = tpu.vector_load %arg4[%get3A_399, %get3A_400, %get3A_401] {strides = array<i32>} : memref<8x32x128xf32, #tpu.memory_space<vmem>>, vector<1x1x16xf32>,
        %get3A_403 = vector.shape_cast %get3A_402 : vector<1x1x16xf32> to vector<16xf32>
        %add3A_404 = arith.addf %add3A_397, %get3A_403 : vector<16xf32>
        %get3A_405 = arith.constant 23 : i32
        %get3A_406 = arith.index_cast %scan3A_18 : i32 to index
        %get3A_407 = arith.index_cast %get3A_405 : i32 to index
        %get3A_408 = arith.constant 16 : index
        %get3A_409 = tpu.vector_load %arg4[%get3A_406, %get3A_407, %get3A_408] {strides = array<i32>} : memref<8x32x128xf32, #tpu.memory_space<vmem>>, vector<1x1x16xf32>,
        %get3A_410 = vector.shape_cast %get3A_409 : vector<1x1x16xf32> to vector<16xf32>
        %add3A_411 = arith.addf %add3A_404, %get3A_410 : vector<16xf32>
        %get3A_412 = arith.constant 24 : i32
        %get3A_413 = arith.index_cast %scan3A_18 : i32 to index
        %get3A_414 = arith.index_cast %get3A_412 : i32 to index
        %get3A_415 = arith.constant 16 : index
        %get3A_416 = tpu.vector_load %arg4[%get3A_413, %get3A_414, %get3A_415] {strides = array<i32>} : memref<8x32x128xf32, #tpu.memory_space<vmem>>, vector<1x1x16xf32>,
        %get3A_417 = vector.shape_cast %get3A_416 : vector<1x1x16xf32> to vector<16xf32>
        %add3A_418 = arith.addf %add3A_411, %get3A_417 : vector<16xf32>
        %get3A_419 = arith.constant 25 : i32
        %get3A_420 = arith.index_cast %scan3A_18 : i32 to index
        %get3A_421 = arith.index_cast %get3A_419 : i32 to index
        %get3A_422 = arith.constant 16 : index
        %get3A_423 = tpu.vector_load %arg4[%get3A_420, %get3A_421, %get3A_422] {strides = array<i32>} : memref<8x32x128xf32, #tpu.memory_space<vmem>>, vector<1x1x16xf32>,
        %get3A_424 = vector.shape_cast %get3A_423 : vector<1x1x16xf32> to vector<16xf32>
        %add3A_425 = arith.addf %add3A_418, %get3A_424 : vector<16xf32>
        %get3A_426 = arith.constant 26 : i32
        %get3A_427 = arith.index_cast %scan3A_18 : i32 to index
        %get3A_428 = arith.index_cast %get3A_426 : i32 to index
        %get3A_429 = arith.constant 16 : index
        %get3A_430 = tpu.vector_load %arg4[%get3A_427, %get3A_428, %get3A_429] {strides = array<i32>} : memref<8x32x128xf32, #tpu.memory_space<vmem>>, vector<1x1x16xf32>,
        %get3A_431 = vector.shape_cast %get3A_430 : vector<1x1x16xf32> to vector<16xf32>
        %add3A_432 = arith.addf %add3A_425, %get3A_431 : vector<16xf32>
        %get3A_433 = arith.constant 27 : i32
        %get3A_434 = arith.index_cast %scan3A_18 : i32 to index
        %get3A_435 = arith.index_cast %get3A_433 : i32 to index
        %get3A_436 = arith.constant 16 : index
        %get3A_437 = tpu.vector_load %arg4[%get3A_434, %get3A_435, %get3A_436] {strides = array<i32>} : memref<8x32x128xf32, #tpu.memory_space<vmem>>, vector<1x1x16xf32>,
        %get3A_438 = vector.shape_cast %get3A_437 : vector<1x1x16xf32> to vector<16xf32>
        %add3A_439 = arith.addf %add3A_432, %get3A_438 : vector<16xf32>
        %get3A_440 = arith.constant 28 : i32
        %get3A_441 = arith.index_cast %scan3A_18 : i32 to index
        %get3A_442 = arith.index_cast %get3A_440 : i32 to index
        %get3A_443 = arith.constant 16 : index
        %get3A_444 = tpu.vector_load %arg4[%get3A_441, %get3A_442, %get3A_443] {strides = array<i32>} : memref<8x32x128xf32, #tpu.memory_space<vmem>>, vector<1x1x16xf32>,
        %get3A_445 = vector.shape_cast %get3A_444 : vector<1x1x16xf32> to vector<16xf32>
        %add3A_446 = arith.addf %add3A_439, %get3A_445 : vector<16xf32>
        %get3A_447 = arith.constant 29 : i32
        %get3A_448 = arith.index_cast %scan3A_18 : i32 to index
        %get3A_449 = arith.index_cast %get3A_447 : i32 to index
        %get3A_450 = arith.constant 16 : index
        %get3A_451 = tpu.vector_load %arg4[%get3A_448, %get3A_449, %get3A_450] {strides = array<i32>} : memref<8x32x128xf32, #tpu.memory_space<vmem>>, vector<1x1x16xf32>,
        %get3A_452 = vector.shape_cast %get3A_451 : vector<1x1x16xf32> to vector<16xf32>
        %add3A_453 = arith.addf %add3A_446, %get3A_452 : vector<16xf32>
        %get3A_454 = arith.constant 30 : i32
        %get3A_455 = arith.index_cast %scan3A_18 : i32 to index
        %get3A_456 = arith.index_cast %get3A_454 : i32 to index
        %get3A_457 = arith.constant 16 : index
        %get3A_458 = tpu.vector_load %arg4[%get3A_455, %get3A_456, %get3A_457] {strides = array<i32>} : memref<8x32x128xf32, #tpu.memory_space<vmem>>, vector<1x1x16xf32>,
        %get3A_459 = vector.shape_cast %get3A_458 : vector<1x1x16xf32> to vector<16xf32>
        %add3A_460 = arith.addf %add3A_453, %get3A_459 : vector<16xf32>
        %get3A_461 = arith.constant 31 : i32
        %get3A_462 = arith.index_cast %scan3A_18 : i32 to index
        %get3A_463 = arith.index_cast %get3A_461 : i32 to index
        %get3A_464 = arith.constant 16 : index
        %get3A_465 = tpu.vector_load %arg4[%get3A_462, %get3A_463, %get3A_464] {strides = array<i32>} : memref<8x32x128xf32, #tpu.memory_space<vmem>>, vector<1x1x16xf32>,
        %get3A_466 = vector.shape_cast %get3A_465 : vector<1x1x16xf32> to vector<16xf32>
        %add3A_467 = arith.addf %add3A_460, %get3A_466 : vector<16xf32>
        %swap3A_468 = arith.index_cast %scan3A_18 : i32 to index
        %swap3A_469 = arith.constant 16 : index
        %swap3A_470 = tpu.vector_load %arg5[%swap3A_468, %swap3A_469] {strides = array<i32>} : memref<8x128xf32, #tpu.memory_space<vmem>>, vector<1x16xf32>,
        %swap3A_471 = vector.shape_cast %swap3A_470 : vector<1x16xf32> to vector<16xf32>
        %swap3A_472 = vector.shape_cast %add3A_467 : vector<16xf32> to vector<1x16xf32>
        tpu.vector_store %arg5[%swap3A_468, %swap3A_469], %swap3A_472 {strides = array<i32>} : memref<8x128xf32, #tpu.memory_space<vmem>>, vector<1x16xf32>,
        %get3A_473 = arith.constant 0 : i32
        %get3A_474 = arith.index_cast %scan3A_18 : i32 to index
        %get3A_475 = arith.index_cast %get3A_473 : i32 to index
        %get3A_476 = arith.constant 32 : index
        %get3A_477 = tpu.vector_load %arg4[%get3A_474, %get3A_475, %get3A_476] {strides = array<i32>} : memref<8x32x128xf32, #tpu.memory_space<vmem>>, vector<1x1x16xf32>,
        %get3A_478 = vector.shape_cast %get3A_477 : vector<1x1x16xf32> to vector<16xf32>
        %get3A_479 = arith.constant 1 : i32
        %get3A_480 = arith.index_cast %scan3A_18 : i32 to index
        %get3A_481 = arith.index_cast %get3A_479 : i32 to index
        %get3A_482 = arith.constant 32 : index
        %get3A_483 = tpu.vector_load %arg4[%get3A_480, %get3A_481, %get3A_482] {strides = array<i32>} : memref<8x32x128xf32, #tpu.memory_space<vmem>>, vector<1x1x16xf32>,
        %get3A_484 = vector.shape_cast %get3A_483 : vector<1x1x16xf32> to vector<16xf32>
        %add3A_485 = arith.addf %get3A_478, %get3A_484 : vector<16xf32>
        %get3A_486 = arith.constant 2 : i32
        %get3A_487 = arith.index_cast %scan3A_18 : i32 to index
        %get3A_488 = arith.index_cast %get3A_486 : i32 to index
        %get3A_489 = arith.constant 32 : index
        %get3A_490 = tpu.vector_load %arg4[%get3A_487, %get3A_488, %get3A_489] {strides = array<i32>} : memref<8x32x128xf32, #tpu.memory_space<vmem>>, vector<1x1x16xf32>,
        %get3A_491 = vector.shape_cast %get3A_490 : vector<1x1x16xf32> to vector<16xf32>
        %add3A_492 = arith.addf %add3A_485, %get3A_491 : vector<16xf32>
        %get3A_493 = arith.constant 3 : i32
        %get3A_494 = arith.index_cast %scan3A_18 : i32 to index
        %get3A_495 = arith.index_cast %get3A_493 : i32 to index
        %get3A_496 = arith.constant 32 : index
        %get3A_497 = tpu.vector_load %arg4[%get3A_494, %get3A_495, %get3A_496] {strides = array<i32>} : memref<8x32x128xf32, #tpu.memory_space<vmem>>, vector<1x1x16xf32>,
        %get3A_498 = vector.shape_cast %get3A_497 : vector<1x1x16xf32> to vector<16xf32>
        %add3A_499 = arith.addf %add3A_492, %get3A_498 : vector<16xf32>
        %get3A_500 = arith.constant 4 : i32
        %get3A_501 = arith.index_cast %scan3A_18 : i32 to index
        %get3A_502 = arith.index_cast %get3A_500 : i32 to index
        %get3A_503 = arith.constant 32 : index
        %get3A_504 = tpu.vector_load %arg4[%get3A_501, %get3A_502, %get3A_503] {strides = array<i32>} : memref<8x32x128xf32, #tpu.memory_space<vmem>>, vector<1x1x16xf32>,
        %get3A_505 = vector.shape_cast %get3A_504 : vector<1x1x16xf32> to vector<16xf32>
        %add3A_506 = arith.addf %add3A_499, %get3A_505 : vector<16xf32>
        %get3A_507 = arith.constant 5 : i32
        %get3A_508 = arith.index_cast %scan3A_18 : i32 to index
        %get3A_509 = arith.index_cast %get3A_507 : i32 to index
        %get3A_510 = arith.constant 32 : index
        %get3A_511 = tpu.vector_load %arg4[%get3A_508, %get3A_509, %get3A_510] {strides = array<i32>} : memref<8x32x128xf32, #tpu.memory_space<vmem>>, vector<1x1x16xf32>,
        %get3A_512 = vector.shape_cast %get3A_511 : vector<1x1x16xf32> to vector<16xf32>
        %add3A_513 = arith.addf %add3A_506, %get3A_512 : vector<16xf32>
        %get3A_514 = arith.constant 6 : i32
        %get3A_515 = arith.index_cast %scan3A_18 : i32 to index
        %get3A_516 = arith.index_cast %get3A_514 : i32 to index
        %get3A_517 = arith.constant 32 : index
        %get3A_518 = tpu.vector_load %arg4[%get3A_515, %get3A_516, %get3A_517] {strides = array<i32>} : memref<8x32x128xf32, #tpu.memory_space<vmem>>, vector<1x1x16xf32>,
        %get3A_519 = vector.shape_cast %get3A_518 : vector<1x1x16xf32> to vector<16xf32>
        %add3A_520 = arith.addf %add3A_513, %get3A_519 : vector<16xf32>
        %get3A_521 = arith.constant 7 : i32
        %get3A_522 = arith.index_cast %scan3A_18 : i32 to index
        %get3A_523 = arith.index_cast %get3A_521 : i32 to index
        %get3A_524 = arith.constant 32 : index
        %get3A_525 = tpu.vector_load %arg4[%get3A_522, %get3A_523, %get3A_524] {strides = array<i32>} : memref<8x32x128xf32, #tpu.memory_space<vmem>>, vector<1x1x16xf32>,
        %get3A_526 = vector.shape_cast %get3A_525 : vector<1x1x16xf32> to vector<16xf32>
        %add3A_527 = arith.addf %add3A_520, %get3A_526 : vector<16xf32>
        %get3A_528 = arith.constant 8 : i32
        %get3A_529 = arith.index_cast %scan3A_18 : i32 to index
        %get3A_530 = arith.index_cast %get3A_528 : i32 to index
        %get3A_531 = arith.constant 32 : index
        %get3A_532 = tpu.vector_load %arg4[%get3A_529, %get3A_530, %get3A_531] {strides = array<i32>} : memref<8x32x128xf32, #tpu.memory_space<vmem>>, vector<1x1x16xf32>,
        %get3A_533 = vector.shape_cast %get3A_532 : vector<1x1x16xf32> to vector<16xf32>
        %add3A_534 = arith.addf %add3A_527, %get3A_533 : vector<16xf32>
        %get3A_535 = arith.constant 9 : i32
        %get3A_536 = arith.index_cast %scan3A_18 : i32 to index
        %get3A_537 = arith.index_cast %get3A_535 : i32 to index
        %get3A_538 = arith.constant 32 : index
        %get3A_539 = tpu.vector_load %arg4[%get3A_536, %get3A_537, %get3A_538] {strides = array<i32>} : memref<8x32x128xf32, #tpu.memory_space<vmem>>, vector<1x1x16xf32>,
        %get3A_540 = vector.shape_cast %get3A_539 : vector<1x1x16xf32> to vector<16xf32>
        %add3A_541 = arith.addf %add3A_534, %get3A_540 : vector<16xf32>
        %get3A_542 = arith.constant 10 : i32
        %get3A_543 = arith.index_cast %scan3A_18 : i32 to index
        %get3A_544 = arith.index_cast %get3A_542 : i32 to index
        %get3A_545 = arith.constant 32 : index
        %get3A_546 = tpu.vector_load %arg4[%get3A_543, %get3A_544, %get3A_545] {strides = array<i32>} : memref<8x32x128xf32, #tpu.memory_space<vmem>>, vector<1x1x16xf32>,
        %get3A_547 = vector.shape_cast %get3A_546 : vector<1x1x16xf32> to vector<16xf32>
        %add3A_548 = arith.addf %add3A_541, %get3A_547 : vector<16xf32>
        %get3A_549 = arith.constant 11 : i32
        %get3A_550 = arith.index_cast %scan3A_18 : i32 to index
        %get3A_551 = arith.index_cast %get3A_549 : i32 to index
        %get3A_552 = arith.constant 32 : index
        %get3A_553 = tpu.vector_load %arg4[%get3A_550, %get3A_551, %get3A_552] {strides = array<i32>} : memref<8x32x128xf32, #tpu.memory_space<vmem>>, vector<1x1x16xf32>,
        %get3A_554 = vector.shape_cast %get3A_553 : vector<1x1x16xf32> to vector<16xf32>
        %add3A_555 = arith.addf %add3A_548, %get3A_554 : vector<16xf32>
        %get3A_556 = arith.constant 12 : i32
        %get3A_557 = arith.index_cast %scan3A_18 : i32 to index
        %get3A_558 = arith.index_cast %get3A_556 : i32 to index
        %get3A_559 = arith.constant 32 : index
        %get3A_560 = tpu.vector_load %arg4[%get3A_557, %get3A_558, %get3A_559] {strides = array<i32>} : memref<8x32x128xf32, #tpu.memory_space<vmem>>, vector<1x1x16xf32>,
        %get3A_561 = vector.shape_cast %get3A_560 : vector<1x1x16xf32> to vector<16xf32>
        %add3A_562 = arith.addf %add3A_555, %get3A_561 : vector<16xf32>
        %get3A_563 = arith.constant 13 : i32
        %get3A_564 = arith.index_cast %scan3A_18 : i32 to index
        %get3A_565 = arith.index_cast %get3A_563 : i32 to index
        %get3A_566 = arith.constant 32 : index
        %get3A_567 = tpu.vector_load %arg4[%get3A_564, %get3A_565, %get3A_566] {strides = array<i32>} : memref<8x32x128xf32, #tpu.memory_space<vmem>>, vector<1x1x16xf32>,
        %get3A_568 = vector.shape_cast %get3A_567 : vector<1x1x16xf32> to vector<16xf32>
        %add3A_569 = arith.addf %add3A_562, %get3A_568 : vector<16xf32>
        %get3A_570 = arith.constant 14 : i32
        %get3A_571 = arith.index_cast %scan3A_18 : i32 to index
        %get3A_572 = arith.index_cast %get3A_570 : i32 to index
        %get3A_573 = arith.constant 32 : index
        %get3A_574 = tpu.vector_load %arg4[%get3A_571, %get3A_572, %get3A_573] {strides = array<i32>} : memref<8x32x128xf32, #tpu.memory_space<vmem>>, vector<1x1x16xf32>,
        %get3A_575 = vector.shape_cast %get3A_574 : vector<1x1x16xf32> to vector<16xf32>
        %add3A_576 = arith.addf %add3A_569, %get3A_575 : vector<16xf32>
        %get3A_577 = arith.constant 15 : i32
        %get3A_578 = arith.index_cast %scan3A_18 : i32 to index
        %get3A_579 = arith.index_cast %get3A_577 : i32 to index
        %get3A_580 = arith.constant 32 : index
        %get3A_581 = tpu.vector_load %arg4[%get3A_578, %get3A_579, %get3A_580] {strides = array<i32>} : memref<8x32x128xf32, #tpu.memory_space<vmem>>, vector<1x1x16xf32>,
        %get3A_582 = vector.shape_cast %get3A_581 : vector<1x1x16xf32> to vector<16xf32>
        %add3A_583 = arith.addf %add3A_576, %get3A_582 : vector<16xf32>
        %get3A_584 = arith.constant 16 : i32
        %get3A_585 = arith.index_cast %scan3A_18 : i32 to index
        %get3A_586 = arith.index_cast %get3A_584 : i32 to index
        %get3A_587 = arith.constant 32 : index
        %get3A_588 = tpu.vector_load %arg4[%get3A_585, %get3A_586, %get3A_587] {strides = array<i32>} : memref<8x32x128xf32, #tpu.memory_space<vmem>>, vector<1x1x16xf32>,
        %get3A_589 = vector.shape_cast %get3A_588 : vector<1x1x16xf32> to vector<16xf32>
        %add3A_590 = arith.addf %add3A_583, %get3A_589 : vector<16xf32>
        %get3A_591 = arith.constant 17 : i32
        %get3A_592 = arith.index_cast %scan3A_18 : i32 to index
        %get3A_593 = arith.index_cast %get3A_591 : i32 to index
        %get3A_594 = arith.constant 32 : index
        %get3A_595 = tpu.vector_load %arg4[%get3A_592, %get3A_593, %get3A_594] {strides = array<i32>} : memref<8x32x128xf32, #tpu.memory_space<vmem>>, vector<1x1x16xf32>,
        %get3A_596 = vector.shape_cast %get3A_595 : vector<1x1x16xf32> to vector<16xf32>
        %add3A_597 = arith.addf %add3A_590, %get3A_596 : vector<16xf32>
        %get3A_598 = arith.constant 18 : i32
        %get3A_599 = arith.index_cast %scan3A_18 : i32 to index
        %get3A_600 = arith.index_cast %get3A_598 : i32 to index
        %get3A_601 = arith.constant 32 : index
        %get3A_602 = tpu.vector_load %arg4[%get3A_599, %get3A_600, %get3A_601] {strides = array<i32>} : memref<8x32x128xf32, #tpu.memory_space<vmem>>, vector<1x1x16xf32>,
        %get3A_603 = vector.shape_cast %get3A_602 : vector<1x1x16xf32> to vector<16xf32>
        %add3A_604 = arith.addf %add3A_597, %get3A_603 : vector<16xf32>
        %get3A_605 = arith.constant 19 : i32
        %get3A_606 = arith.index_cast %scan3A_18 : i32 to index
        %get3A_607 = arith.index_cast %get3A_605 : i32 to index
        %get3A_608 = arith.constant 32 : index
        %get3A_609 = tpu.vector_load %arg4[%get3A_606, %get3A_607, %get3A_608] {strides = array<i32>} : memref<8x32x128xf32, #tpu.memory_space<vmem>>, vector<1x1x16xf32>,
        %get3A_610 = vector.shape_cast %get3A_609 : vector<1x1x16xf32> to vector<16xf32>
        %add3A_611 = arith.addf %add3A_604, %get3A_610 : vector<16xf32>
        %get3A_612 = arith.constant 20 : i32
        %get3A_613 = arith.index_cast %scan3A_18 : i32 to index
        %get3A_614 = arith.index_cast %get3A_612 : i32 to index
        %get3A_615 = arith.constant 32 : index
        %get3A_616 = tpu.vector_load %arg4[%get3A_613, %get3A_614, %get3A_615] {strides = array<i32>} : memref<8x32x128xf32, #tpu.memory_space<vmem>>, vector<1x1x16xf32>,
        %get3A_617 = vector.shape_cast %get3A_616 : vector<1x1x16xf32> to vector<16xf32>
        %add3A_618 = arith.addf %add3A_611, %get3A_617 : vector<16xf32>
        %get3A_619 = arith.constant 21 : i32
        %get3A_620 = arith.index_cast %scan3A_18 : i32 to index
        %get3A_621 = arith.index_cast %get3A_619 : i32 to index
        %get3A_622 = arith.constant 32 : index
        %get3A_623 = tpu.vector_load %arg4[%get3A_620, %get3A_621, %get3A_622] {strides = array<i32>} : memref<8x32x128xf32, #tpu.memory_space<vmem>>, vector<1x1x16xf32>,
        %get3A_624 = vector.shape_cast %get3A_623 : vector<1x1x16xf32> to vector<16xf32>
        %add3A_625 = arith.addf %add3A_618, %get3A_624 : vector<16xf32>
        %get3A_626 = arith.constant 22 : i32
        %get3A_627 = arith.index_cast %scan3A_18 : i32 to index
        %get3A_628 = arith.index_cast %get3A_626 : i32 to index
        %get3A_629 = arith.constant 32 : index
        %get3A_630 = tpu.vector_load %arg4[%get3A_627, %get3A_628, %get3A_629] {strides = array<i32>} : memref<8x32x128xf32, #tpu.memory_space<vmem>>, vector<1x1x16xf32>,
        %get3A_631 = vector.shape_cast %get3A_630 : vector<1x1x16xf32> to vector<16xf32>
        %add3A_632 = arith.addf %add3A_625, %get3A_631 : vector<16xf32>
        %get3A_633 = arith.constant 23 : i32
        %get3A_634 = arith.index_cast %scan3A_18 : i32 to index
        %get3A_635 = arith.index_cast %get3A_633 : i32 to index
        %get3A_636 = arith.constant 32 : index
        %get3A_637 = tpu.vector_load %arg4[%get3A_634, %get3A_635, %get3A_636] {strides = array<i32>} : memref<8x32x128xf32, #tpu.memory_space<vmem>>, vector<1x1x16xf32>,
        %get3A_638 = vector.shape_cast %get3A_637 : vector<1x1x16xf32> to vector<16xf32>
        %add3A_639 = arith.addf %add3A_632, %get3A_638 : vector<16xf32>
        %get3A_640 = arith.constant 24 : i32
        %get3A_641 = arith.index_cast %scan3A_18 : i32 to index
        %get3A_642 = arith.index_cast %get3A_640 : i32 to index
        %get3A_643 = arith.constant 32 : index
        %get3A_644 = tpu.vector_load %arg4[%get3A_641, %get3A_642, %get3A_643] {strides = array<i32>} : memref<8x32x128xf32, #tpu.memory_space<vmem>>, vector<1x1x16xf32>,
        %get3A_645 = vector.shape_cast %get3A_644 : vector<1x1x16xf32> to vector<16xf32>
        %add3A_646 = arith.addf %add3A_639, %get3A_645 : vector<16xf32>
        %get3A_647 = arith.constant 25 : i32
        %get3A_648 = arith.index_cast %scan3A_18 : i32 to index
        %get3A_649 = arith.index_cast %get3A_647 : i32 to index
        %get3A_650 = arith.constant 32 : index
        %get3A_651 = tpu.vector_load %arg4[%get3A_648, %get3A_649, %get3A_650] {strides = array<i32>} : memref<8x32x128xf32, #tpu.memory_space<vmem>>, vector<1x1x16xf32>,
        %get3A_652 = vector.shape_cast %get3A_651 : vector<1x1x16xf32> to vector<16xf32>
        %add3A_653 = arith.addf %add3A_646, %get3A_652 : vector<16xf32>
        %get3A_654 = arith.constant 26 : i32
        %get3A_655 = arith.index_cast %scan3A_18 : i32 to index
        %get3A_656 = arith.index_cast %get3A_654 : i32 to index
        %get3A_657 = arith.constant 32 : index
        %get3A_658 = tpu.vector_load %arg4[%get3A_655, %get3A_656, %get3A_657] {strides = array<i32>} : memref<8x32x128xf32, #tpu.memory_space<vmem>>, vector<1x1x16xf32>,
        %get3A_659 = vector.shape_cast %get3A_658 : vector<1x1x16xf32> to vector<16xf32>
        %add3A_660 = arith.addf %add3A_653, %get3A_659 : vector<16xf32>
        %get3A_661 = arith.constant 27 : i32
        %get3A_662 = arith.index_cast %scan3A_18 : i32 to index
        %get3A_663 = arith.index_cast %get3A_661 : i32 to index
        %get3A_664 = arith.constant 32 : index
        %get3A_665 = tpu.vector_load %arg4[%get3A_662, %get3A_663, %get3A_664] {strides = array<i32>} : memref<8x32x128xf32, #tpu.memory_space<vmem>>, vector<1x1x16xf32>,
        %get3A_666 = vector.shape_cast %get3A_665 : vector<1x1x16xf32> to vector<16xf32>
        %add3A_667 = arith.addf %add3A_660, %get3A_666 : vector<16xf32>
        %get3A_668 = arith.constant 28 : i32
        %get3A_669 = arith.index_cast %scan3A_18 : i32 to index
        %get3A_670 = arith.index_cast %get3A_668 : i32 to index
        %get3A_671 = arith.constant 32 : index
        %get3A_672 = tpu.vector_load %arg4[%get3A_669, %get3A_670, %get3A_671] {strides = array<i32>} : memref<8x32x128xf32, #tpu.memory_space<vmem>>, vector<1x1x16xf32>,
        %get3A_673 = vector.shape_cast %get3A_672 : vector<1x1x16xf32> to vector<16xf32>
        %add3A_674 = arith.addf %add3A_667, %get3A_673 : vector<16xf32>
        %get3A_675 = arith.constant 29 : i32
        %get3A_676 = arith.index_cast %scan3A_18 : i32 to index
        %get3A_677 = arith.index_cast %get3A_675 : i32 to index
        %get3A_678 = arith.constant 32 : index
        %get3A_679 = tpu.vector_load %arg4[%get3A_676, %get3A_677, %get3A_678] {strides = array<i32>} : memref<8x32x128xf32, #tpu.memory_space<vmem>>, vector<1x1x16xf32>,
        %get3A_680 = vector.shape_cast %get3A_679 : vector<1x1x16xf32> to vector<16xf32>
        %add3A_681 = arith.addf %add3A_674, %get3A_680 : vector<16xf32>
        %get3A_682 = arith.constant 30 : i32
        %get3A_683 = arith.index_cast %scan3A_18 : i32 to index
        %get3A_684 = arith.index_cast %get3A_682 : i32 to index
        %get3A_685 = arith.constant 32 : index
        %get3A_686 = tpu.vector_load %arg4[%get3A_683, %get3A_684, %get3A_685] {strides = array<i32>} : memref<8x32x128xf32, #tpu.memory_space<vmem>>, vector<1x1x16xf32>,
        %get3A_687 = vector.shape_cast %get3A_686 : vector<1x1x16xf32> to vector<16xf32>
        %add3A_688 = arith.addf %add3A_681, %get3A_687 : vector<16xf32>
        %get3A_689 = arith.constant 31 : i32
        %get3A_690 = arith.index_cast %scan3A_18 : i32 to index
        %get3A_691 = arith.index_cast %get3A_689 : i32 to index
        %get3A_692 = arith.constant 32 : index
        %get3A_693 = tpu.vector_load %arg4[%get3A_690, %get3A_691, %get3A_692] {strides = array<i32>} : memref<8x32x128xf32, #tpu.memory_space<vmem>>, vector<1x1x16xf32>,
        %get3A_694 = vector.shape_cast %get3A_693 : vector<1x1x16xf32> to vector<16xf32>
        %add3A_695 = arith.addf %add3A_688, %get3A_694 : vector<16xf32>
        %swap3A_696 = arith.index_cast %scan3A_18 : i32 to index
        %swap3A_697 = arith.constant 32 : index
        %swap3A_698 = tpu.vector_load %arg5[%swap3A_696, %swap3A_697] {strides = array<i32>} : memref<8x128xf32, #tpu.memory_space<vmem>>, vector<1x16xf32>,
        %swap3A_699 = vector.shape_cast %swap3A_698 : vector<1x16xf32> to vector<16xf32>
        %swap3A_700 = vector.shape_cast %add3A_695 : vector<16xf32> to vector<1x16xf32>
        tpu.vector_store %arg5[%swap3A_696, %swap3A_697], %swap3A_700 {strides = array<i32>} : memref<8x128xf32, #tpu.memory_space<vmem>>, vector<1x16xf32>,
        %get3A_701 = arith.constant 0 : i32
        %get3A_702 = arith.index_cast %scan3A_18 : i32 to index
        %get3A_703 = arith.index_cast %get3A_701 : i32 to index
        %get3A_704 = arith.constant 48 : index
        %get3A_705 = tpu.vector_load %arg4[%get3A_702, %get3A_703, %get3A_704] {strides = array<i32>} : memref<8x32x128xf32, #tpu.memory_space<vmem>>, vector<1x1x16xf32>,
        %get3A_706 = vector.shape_cast %get3A_705 : vector<1x1x16xf32> to vector<16xf32>
        %get3A_707 = arith.constant 1 : i32
        %get3A_708 = arith.index_cast %scan3A_18 : i32 to index
        %get3A_709 = arith.index_cast %get3A_707 : i32 to index
        %get3A_710 = arith.constant 48 : index
        %get3A_711 = tpu.vector_load %arg4[%get3A_708, %get3A_709, %get3A_710] {strides = array<i32>} : memref<8x32x128xf32, #tpu.memory_space<vmem>>, vector<1x1x16xf32>,
        %get3A_712 = vector.shape_cast %get3A_711 : vector<1x1x16xf32> to vector<16xf32>
        %add3A_713 = arith.addf %get3A_706, %get3A_712 : vector<16xf32>
        %get3A_714 = arith.constant 2 : i32
        %get3A_715 = arith.index_cast %scan3A_18 : i32 to index
        %get3A_716 = arith.index_cast %get3A_714 : i32 to index
        %get3A_717 = arith.constant 48 : index
        %get3A_718 = tpu.vector_load %arg4[%get3A_715, %get3A_716, %get3A_717] {strides = array<i32>} : memref<8x32x128xf32, #tpu.memory_space<vmem>>, vector<1x1x16xf32>,
        %get3A_719 = vector.shape_cast %get3A_718 : vector<1x1x16xf32> to vector<16xf32>
        %add3A_720 = arith.addf %add3A_713, %get3A_719 : vector<16xf32>
        %get3A_721 = arith.constant 3 : i32
        %get3A_722 = arith.index_cast %scan3A_18 : i32 to index
        %get3A_723 = arith.index_cast %get3A_721 : i32 to index
        %get3A_724 = arith.constant 48 : index
        %get3A_725 = tpu.vector_load %arg4[%get3A_722, %get3A_723, %get3A_724] {strides = array<i32>} : memref<8x32x128xf32, #tpu.memory_space<vmem>>, vector<1x1x16xf32>,
        %get3A_726 = vector.shape_cast %get3A_725 : vector<1x1x16xf32> to vector<16xf32>
        %add3A_727 = arith.addf %add3A_720, %get3A_726 : vector<16xf32>
        %get3A_728 = arith.constant 4 : i32
        %get3A_729 = arith.index_cast %scan3A_18 : i32 to index
        %get3A_730 = arith.index_cast %get3A_728 : i32 to index
        %get3A_731 = arith.constant 48 : index
        %get3A_732 = tpu.vector_load %arg4[%get3A_729, %get3A_730, %get3A_731] {strides = array<i32>} : memref<8x32x128xf32, #tpu.memory_space<vmem>>, vector<1x1x16xf32>,
        %get3A_733 = vector.shape_cast %get3A_732 : vector<1x1x16xf32> to vector<16xf32>
        %add3A_734 = arith.addf %add3A_727, %get3A_733 : vector<16xf32>
        %get3A_735 = arith.constant 5 : i32
        %get3A_736 = arith.index_cast %scan3A_18 : i32 to index
        %get3A_737 = arith.index_cast %get3A_735 : i32 to index
        %get3A_738 = arith.constant 48 : index
        %get3A_739 = tpu.vector_load %arg4[%get3A_736, %get3A_737, %get3A_738] {strides = array<i32>} : memref<8x32x128xf32, #tpu.memory_space<vmem>>, vector<1x1x16xf32>,
        %get3A_740 = vector.shape_cast %get3A_739 : vector<1x1x16xf32> to vector<16xf32>
        %add3A_741 = arith.addf %add3A_734, %get3A_740 : vector<16xf32>
        %get3A_742 = arith.constant 6 : i32
        %get3A_743 = arith.index_cast %scan3A_18 : i32 to index
        %get3A_744 = arith.index_cast %get3A_742 : i32 to index
        %get3A_745 = arith.constant 48 : index
        %get3A_746 = tpu.vector_load %arg4[%get3A_743, %get3A_744, %get3A_745] {strides = array<i32>} : memref<8x32x128xf32, #tpu.memory_space<vmem>>, vector<1x1x16xf32>,
        %get3A_747 = vector.shape_cast %get3A_746 : vector<1x1x16xf32> to vector<16xf32>
        %add3A_748 = arith.addf %add3A_741, %get3A_747 : vector<16xf32>
        %get3A_749 = arith.constant 7 : i32
        %get3A_750 = arith.index_cast %scan3A_18 : i32 to index
        %get3A_751 = arith.index_cast %get3A_749 : i32 to index
        %get3A_752 = arith.constant 48 : index
        %get3A_753 = tpu.vector_load %arg4[%get3A_750, %get3A_751, %get3A_752] {strides = array<i32>} : memref<8x32x128xf32, #tpu.memory_space<vmem>>, vector<1x1x16xf32>,
        %get3A_754 = vector.shape_cast %get3A_753 : vector<1x1x16xf32> to vector<16xf32>
        %add3A_755 = arith.addf %add3A_748, %get3A_754 : vector<16xf32>
        %get3A_756 = arith.constant 8 : i32
        %get3A_757 = arith.index_cast %scan3A_18 : i32 to index
        %get3A_758 = arith.index_cast %get3A_756 : i32 to index
        %get3A_759 = arith.constant 48 : index
        %get3A_760 = tpu.vector_load %arg4[%get3A_757, %get3A_758, %get3A_759] {strides = array<i32>} : memref<8x32x128xf32, #tpu.memory_space<vmem>>, vector<1x1x16xf32>,
        %get3A_761 = vector.shape_cast %get3A_760 : vector<1x1x16xf32> to vector<16xf32>
        %add3A_762 = arith.addf %add3A_755, %get3A_761 : vector<16xf32>
        %get3A_763 = arith.constant 9 : i32
        %get3A_764 = arith.index_cast %scan3A_18 : i32 to index
        %get3A_765 = arith.index_cast %get3A_763 : i32 to index
        %get3A_766 = arith.constant 48 : index
        %get3A_767 = tpu.vector_load %arg4[%get3A_764, %get3A_765, %get3A_766] {strides = array<i32>} : memref<8x32x128xf32, #tpu.memory_space<vmem>>, vector<1x1x16xf32>,
        %get3A_768 = vector.shape_cast %get3A_767 : vector<1x1x16xf32> to vector<16xf32>
        %add3A_769 = arith.addf %add3A_762, %get3A_768 : vector<16xf32>
        %get3A_770 = arith.constant 10 : i32
        %get3A_771 = arith.index_cast %scan3A_18 : i32 to index
        %get3A_772 = arith.index_cast %get3A_770 : i32 to index
        %get3A_773 = arith.constant 48 : index
        %get3A_774 = tpu.vector_load %arg4[%get3A_771, %get3A_772, %get3A_773] {strides = array<i32>} : memref<8x32x128xf32, #tpu.memory_space<vmem>>, vector<1x1x16xf32>,
        %get3A_775 = vector.shape_cast %get3A_774 : vector<1x1x16xf32> to vector<16xf32>
        %add3A_776 = arith.addf %add3A_769, %get3A_775 : vector<16xf32>
        %get3A_777 = arith.constant 11 : i32
        %get3A_778 = arith.index_cast %scan3A_18 : i32 to index
        %get3A_779 = arith.index_cast %get3A_777 : i32 to index
        %get3A_780 = arith.constant 48 : index
        %get3A_781 = tpu.vector_load %arg4[%get3A_778, %get3A_779, %get3A_780] {strides = array<i32>} : memref<8x32x128xf32, #tpu.memory_space<vmem>>, vector<1x1x16xf32>,
        %get3A_782 = vector.shape_cast %get3A_781 : vector<1x1x16xf32> to vector<16xf32>
        %add3A_783 = arith.addf %add3A_776, %get3A_782 : vector<16xf32>
        %get3A_784 = arith.constant 12 : i32
        %get3A_785 = arith.index_cast %scan3A_18 : i32 to index
        %get3A_786 = arith.index_cast %get3A_784 : i32 to index
        %get3A_787 = arith.constant 48 : index
        %get3A_788 = tpu.vector_load %arg4[%get3A_785, %get3A_786, %get3A_787] {strides = array<i32>} : memref<8x32x128xf32, #tpu.memory_space<vmem>>, vector<1x1x16xf32>,
        %get3A_789 = vector.shape_cast %get3A_788 : vector<1x1x16xf32> to vector<16xf32>
        %add3A_790 = arith.addf %add3A_783, %get3A_789 : vector<16xf32>
        %get3A_791 = arith.constant 13 : i32
        %get3A_792 = arith.index_cast %scan3A_18 : i32 to index
        %get3A_793 = arith.index_cast %get3A_791 : i32 to index
        %get3A_794 = arith.constant 48 : index
        %get3A_795 = tpu.vector_load %arg4[%get3A_792, %get3A_793, %get3A_794] {strides = array<i32>} : memref<8x32x128xf32, #tpu.memory_space<vmem>>, vector<1x1x16xf32>,
        %get3A_796 = vector.shape_cast %get3A_795 : vector<1x1x16xf32> to vector<16xf32>
        %add3A_797 = arith.addf %add3A_790, %get3A_796 : vector<16xf32>
        %get3A_798 = arith.constant 14 : i32
        %get3A_799 = arith.index_cast %scan3A_18 : i32 to index
        %get3A_800 = arith.index_cast %get3A_798 : i32 to index
        %get3A_801 = arith.constant 48 : index
        %get3A_802 = tpu.vector_load %arg4[%get3A_799, %get3A_800, %get3A_801] {strides = array<i32>} : memref<8x32x128xf32, #tpu.memory_space<vmem>>, vector<1x1x16xf32>,
        %get3A_803 = vector.shape_cast %get3A_802 : vector<1x1x16xf32> to vector<16xf32>
        %add3A_804 = arith.addf %add3A_797, %get3A_803 : vector<16xf32>
        %get3A_805 = arith.constant 15 : i32
        %get3A_806 = arith.index_cast %scan3A_18 : i32 to index
        %get3A_807 = arith.index_cast %get3A_805 : i32 to index
        %get3A_808 = arith.constant 48 : index
        %get3A_809 = tpu.vector_load %arg4[%get3A_806, %get3A_807, %get3A_808] {strides = array<i32>} : memref<8x32x128xf32, #tpu.memory_space<vmem>>, vector<1x1x16xf32>,
        %get3A_810 = vector.shape_cast %get3A_809 : vector<1x1x16xf32> to vector<16xf32>
        %add3A_811 = arith.addf %add3A_804, %get3A_810 : vector<16xf32>
        %get3A_812 = arith.constant 16 : i32
        %get3A_813 = arith.index_cast %scan3A_18 : i32 to index
        %get3A_814 = arith.index_cast %get3A_812 : i32 to index
        %get3A_815 = arith.constant 48 : index
        %get3A_816 = tpu.vector_load %arg4[%get3A_813, %get3A_814, %get3A_815] {strides = array<i32>} : memref<8x32x128xf32, #tpu.memory_space<vmem>>, vector<1x1x16xf32>,
        %get3A_817 = vector.shape_cast %get3A_816 : vector<1x1x16xf32> to vector<16xf32>
        %add3A_818 = arith.addf %add3A_811, %get3A_817 : vector<16xf32>
        %get3A_819 = arith.constant 17 : i32
        %get3A_820 = arith.index_cast %scan3A_18 : i32 to index
        %get3A_821 = arith.index_cast %get3A_819 : i32 to index
        %get3A_822 = arith.constant 48 : index
        %get3A_823 = tpu.vector_load %arg4[%get3A_820, %get3A_821, %get3A_822] {strides = array<i32>} : memref<8x32x128xf32, #tpu.memory_space<vmem>>, vector<1x1x16xf32>,
        %get3A_824 = vector.shape_cast %get3A_823 : vector<1x1x16xf32> to vector<16xf32>
        %add3A_825 = arith.addf %add3A_818, %get3A_824 : vector<16xf32>
        %get3A_826 = arith.constant 18 : i32
        %get3A_827 = arith.index_cast %scan3A_18 : i32 to index
        %get3A_828 = arith.index_cast %get3A_826 : i32 to index
        %get3A_829 = arith.constant 48 : index
        %get3A_830 = tpu.vector_load %arg4[%get3A_827, %get3A_828, %get3A_829] {strides = array<i32>} : memref<8x32x128xf32, #tpu.memory_space<vmem>>, vector<1x1x16xf32>,
        %get3A_831 = vector.shape_cast %get3A_830 : vector<1x1x16xf32> to vector<16xf32>
        %add3A_832 = arith.addf %add3A_825, %get3A_831 : vector<16xf32>
        %get3A_833 = arith.constant 19 : i32
        %get3A_834 = arith.index_cast %scan3A_18 : i32 to index
        %get3A_835 = arith.index_cast %get3A_833 : i32 to index
        %get3A_836 = arith.constant 48 : index
        %get3A_837 = tpu.vector_load %arg4[%get3A_834, %get3A_835, %get3A_836] {strides = array<i32>} : memref<8x32x128xf32, #tpu.memory_space<vmem>>, vector<1x1x16xf32>,
        %get3A_838 = vector.shape_cast %get3A_837 : vector<1x1x16xf32> to vector<16xf32>
        %add3A_839 = arith.addf %add3A_832, %get3A_838 : vector<16xf32>
        %get3A_840 = arith.constant 20 : i32
        %get3A_841 = arith.index_cast %scan3A_18 : i32 to index
        %get3A_842 = arith.index_cast %get3A_840 : i32 to index
        %get3A_843 = arith.constant 48 : index
        %get3A_844 = tpu.vector_load %arg4[%get3A_841, %get3A_842, %get3A_843] {strides = array<i32>} : memref<8x32x128xf32, #tpu.memory_space<vmem>>, vector<1x1x16xf32>,
        %get3A_845 = vector.shape_cast %get3A_844 : vector<1x1x16xf32> to vector<16xf32>
        %add3A_846 = arith.addf %add3A_839, %get3A_845 : vector<16xf32>
        %get3A_847 = arith.constant 21 : i32
        %get3A_848 = arith.index_cast %scan3A_18 : i32 to index
        %get3A_849 = arith.index_cast %get3A_847 : i32 to index
        %get3A_850 = arith.constant 48 : index
        %get3A_851 = tpu.vector_load %arg4[%get3A_848, %get3A_849, %get3A_850] {strides = array<i32>} : memref<8x32x128xf32, #tpu.memory_space<vmem>>, vector<1x1x16xf32>,
        %get3A_852 = vector.shape_cast %get3A_851 : vector<1x1x16xf32> to vector<16xf32>
        %add3A_853 = arith.addf %add3A_846, %get3A_852 : vector<16xf32>
        %get3A_854 = arith.constant 22 : i32
        %get3A_855 = arith.index_cast %scan3A_18 : i32 to index
        %get3A_856 = arith.index_cast %get3A_854 : i32 to index
        %get3A_857 = arith.constant 48 : index
        %get3A_858 = tpu.vector_load %arg4[%get3A_855, %get3A_856, %get3A_857] {strides = array<i32>} : memref<8x32x128xf32, #tpu.memory_space<vmem>>, vector<1x1x16xf32>,
        %get3A_859 = vector.shape_cast %get3A_858 : vector<1x1x16xf32> to vector<16xf32>
        %add3A_860 = arith.addf %add3A_853, %get3A_859 : vector<16xf32>
        %get3A_861 = arith.constant 23 : i32
        %get3A_862 = arith.index_cast %scan3A_18 : i32 to index
        %get3A_863 = arith.index_cast %get3A_861 : i32 to index
        %get3A_864 = arith.constant 48 : index
        %get3A_865 = tpu.vector_load %arg4[%get3A_862, %get3A_863, %get3A_864] {strides = array<i32>} : memref<8x32x128xf32, #tpu.memory_space<vmem>>, vector<1x1x16xf32>,
        %get3A_866 = vector.shape_cast %get3A_865 : vector<1x1x16xf32> to vector<16xf32>
        %add3A_867 = arith.addf %add3A_860, %get3A_866 : vector<16xf32>
        %get3A_868 = arith.constant 24 : i32
        %get3A_869 = arith.index_cast %scan3A_18 : i32 to index
        %get3A_870 = arith.index_cast %get3A_868 : i32 to index
        %get3A_871 = arith.constant 48 : index
        %get3A_872 = tpu.vector_load %arg4[%get3A_869, %get3A_870, %get3A_871] {strides = array<i32>} : memref<8x32x128xf32, #tpu.memory_space<vmem>>, vector<1x1x16xf32>,
        %get3A_873 = vector.shape_cast %get3A_872 : vector<1x1x16xf32> to vector<16xf32>
        %add3A_874 = arith.addf %add3A_867, %get3A_873 : vector<16xf32>
        %get3A_875 = arith.constant 25 : i32
        %get3A_876 = arith.index_cast %scan3A_18 : i32 to index
        %get3A_877 = arith.index_cast %get3A_875 : i32 to index
        %get3A_878 = arith.constant 48 : index
        %get3A_879 = tpu.vector_load %arg4[%get3A_876, %get3A_877, %get3A_878] {strides = array<i32>} : memref<8x32x128xf32, #tpu.memory_space<vmem>>, vector<1x1x16xf32>,
        %get3A_880 = vector.shape_cast %get3A_879 : vector<1x1x16xf32> to vector<16xf32>
        %add3A_881 = arith.addf %add3A_874, %get3A_880 : vector<16xf32>
        %get3A_882 = arith.constant 26 : i32
        %get3A_883 = arith.index_cast %scan3A_18 : i32 to index
        %get3A_884 = arith.index_cast %get3A_882 : i32 to index
        %get3A_885 = arith.constant 48 : index
        %get3A_886 = tpu.vector_load %arg4[%get3A_883, %get3A_884, %get3A_885] {strides = array<i32>} : memref<8x32x128xf32, #tpu.memory_space<vmem>>, vector<1x1x16xf32>,
        %get3A_887 = vector.shape_cast %get3A_886 : vector<1x1x16xf32> to vector<16xf32>
        %add3A_888 = arith.addf %add3A_881, %get3A_887 : vector<16xf32>
        %get3A_889 = arith.constant 27 : i32
        %get3A_890 = arith.index_cast %scan3A_18 : i32 to index
        %get3A_891 = arith.index_cast %get3A_889 : i32 to index
        %get3A_892 = arith.constant 48 : index
        %get3A_893 = tpu.vector_load %arg4[%get3A_890, %get3A_891, %get3A_892] {strides = array<i32>} : memref<8x32x128xf32, #tpu.memory_space<vmem>>, vector<1x1x16xf32>,
        %get3A_894 = vector.shape_cast %get3A_893 : vector<1x1x16xf32> to vector<16xf32>
        %add3A_895 = arith.addf %add3A_888, %get3A_894 : vector<16xf32>
        %get3A_896 = arith.constant 28 : i32
        %get3A_897 = arith.index_cast %scan3A_18 : i32 to index
        %get3A_898 = arith.index_cast %get3A_896 : i32 to index
        %get3A_899 = arith.constant 48 : index
        %get3A_900 = tpu.vector_load %arg4[%get3A_897, %get3A_898, %get3A_899] {strides = array<i32>} : memref<8x32x128xf32, #tpu.memory_space<vmem>>, vector<1x1x16xf32>,
        %get3A_901 = vector.shape_cast %get3A_900 : vector<1x1x16xf32> to vector<16xf32>
        %add3A_902 = arith.addf %add3A_895, %get3A_901 : vector<16xf32>
        %get3A_903 = arith.constant 29 : i32
        %get3A_904 = arith.index_cast %scan3A_18 : i32 to index
        %get3A_905 = arith.index_cast %get3A_903 : i32 to index
        %get3A_906 = arith.constant 48 : index
        %get3A_907 = tpu.vector_load %arg4[%get3A_904, %get3A_905, %get3A_906] {strides = array<i32>} : memref<8x32x128xf32, #tpu.memory_space<vmem>>, vector<1x1x16xf32>,
        %get3A_908 = vector.shape_cast %get3A_907 : vector<1x1x16xf32> to vector<16xf32>
        %add3A_909 = arith.addf %add3A_902, %get3A_908 : vector<16xf32>
        %get3A_910 = arith.constant 30 : i32
        %get3A_911 = arith.index_cast %scan3A_18 : i32 to index
        %get3A_912 = arith.index_cast %get3A_910 : i32 to index
        %get3A_913 = arith.constant 48 : index
        %get3A_914 = tpu.vector_load %arg4[%get3A_911, %get3A_912, %get3A_913] {strides = array<i32>} : memref<8x32x128xf32, #tpu.memory_space<vmem>>, vector<1x1x16xf32>,
        %get3A_915 = vector.shape_cast %get3A_914 : vector<1x1x16xf32> to vector<16xf32>
        %add3A_916 = arith.addf %add3A_909, %get3A_915 : vector<16xf32>
        %get3A_917 = arith.constant 31 : i32
        %get3A_918 = arith.index_cast %scan3A_18 : i32 to index
        %get3A_919 = arith.index_cast %get3A_917 : i32 to index
        %get3A_920 = arith.constant 48 : index
        %get3A_921 = tpu.vector_load %arg4[%get3A_918, %get3A_919, %get3A_920] {strides = array<i32>} : memref<8x32x128xf32, #tpu.memory_space<vmem>>, vector<1x1x16xf32>,
        %get3A_922 = vector.shape_cast %get3A_921 : vector<1x1x16xf32> to vector<16xf32>
        %add3A_923 = arith.addf %add3A_916, %get3A_922 : vector<16xf32>
        %swap3A_924 = arith.index_cast %scan3A_18 : i32 to index
        %swap3A_925 = arith.constant 48 : index
        %swap3A_926 = tpu.vector_load %arg5[%swap3A_924, %swap3A_925] {strides = array<i32>} : memref<8x128xf32, #tpu.memory_space<vmem>>, vector<1x16xf32>,
        %swap3A_927 = vector.shape_cast %swap3A_926 : vector<1x16xf32> to vector<16xf32>
        %swap3A_928 = vector.shape_cast %add3A_923 : vector<16xf32> to vector<1x16xf32>
        tpu.vector_store %arg5[%swap3A_924, %swap3A_925], %swap3A_928 {strides = array<i32>} : memref<8x128xf32, #tpu.memory_space<vmem>>, vector<1x16xf32>,
        %get3A_929 = arith.constant 0 : i32
        %get3A_930 = arith.index_cast %scan3A_18 : i32 to index
        %get3A_931 = arith.index_cast %get3A_929 : i32 to index
        %get3A_932 = arith.constant 64 : index
        %get3A_933 = tpu.vector_load %arg4[%get3A_930, %get3A_931, %get3A_932] {strides = array<i32>} : memref<8x32x128xf32, #tpu.memory_space<vmem>>, vector<1x1x16xf32>,
        %get3A_934 = vector.shape_cast %get3A_933 : vector<1x1x16xf32> to vector<16xf32>
        %get3A_935 = arith.constant 1 : i32
        %get3A_936 = arith.index_cast %scan3A_18 : i32 to index
        %get3A_937 = arith.index_cast %get3A_935 : i32 to index
        %get3A_938 = arith.constant 64 : index
        %get3A_939 = tpu.vector_load %arg4[%get3A_936, %get3A_937, %get3A_938] {strides = array<i32>} : memref<8x32x128xf32, #tpu.memory_space<vmem>>, vector<1x1x16xf32>,
        %get3A_940 = vector.shape_cast %get3A_939 : vector<1x1x16xf32> to vector<16xf32>
        %add3A_941 = arith.addf %get3A_934, %get3A_940 : vector<16xf32>
        %get3A_942 = arith.constant 2 : i32
        %get3A_943 = arith.index_cast %scan3A_18 : i32 to index
        %get3A_944 = arith.index_cast %get3A_942 : i32 to index
        %get3A_945 = arith.constant 64 : index
        %get3A_946 = tpu.vector_load %arg4[%get3A_943, %get3A_944, %get3A_945] {strides = array<i32>} : memref<8x32x128xf32, #tpu.memory_space<vmem>>, vector<1x1x16xf32>,
        %get3A_947 = vector.shape_cast %get3A_946 : vector<1x1x16xf32> to vector<16xf32>
        %add3A_948 = arith.addf %add3A_941, %get3A_947 : vector<16xf32>
        %get3A_949 = arith.constant 3 : i32
        %get3A_950 = arith.index_cast %scan3A_18 : i32 to index
        %get3A_951 = arith.index_cast %get3A_949 : i32 to index
        %get3A_952 = arith.constant 64 : index
        %get3A_953 = tpu.vector_load %arg4[%get3A_950, %get3A_951, %get3A_952] {strides = array<i32>} : memref<8x32x128xf32, #tpu.memory_space<vmem>>, vector<1x1x16xf32>,
        %get3A_954 = vector.shape_cast %get3A_953 : vector<1x1x16xf32> to vector<16xf32>
        %add3A_955 = arith.addf %add3A_948, %get3A_954 : vector<16xf32>
        %get3A_956 = arith.constant 4 : i32
        %get3A_957 = arith.index_cast %scan3A_18 : i32 to index
        %get3A_958 = arith.index_cast %get3A_956 : i32 to index
        %get3A_959 = arith.constant 64 : index
        %get3A_960 = tpu.vector_load %arg4[%get3A_957, %get3A_958, %get3A_959] {strides = array<i32>} : memref<8x32x128xf32, #tpu.memory_space<vmem>>, vector<1x1x16xf32>,
        %get3A_961 = vector.shape_cast %get3A_960 : vector<1x1x16xf32> to vector<16xf32>
        %add3A_962 = arith.addf %add3A_955, %get3A_961 : vector<16xf32>
        %get3A_963 = arith.constant 5 : i32
        %get3A_964 = arith.index_cast %scan3A_18 : i32 to index
        %get3A_965 = arith.index_cast %get3A_963 : i32 to index
        %get3A_966 = arith.constant 64 : index
        %get3A_967 = tpu.vector_load %arg4[%get3A_964, %get3A_965, %get3A_966] {strides = array<i32>} : memref<8x32x128xf32, #tpu.memory_space<vmem>>, vector<1x1x16xf32>,
        %get3A_968 = vector.shape_cast %get3A_967 : vector<1x1x16xf32> to vector<16xf32>
        %add3A_969 = arith.addf %add3A_962, %get3A_968 : vector<16xf32>
        %get3A_970 = arith.constant 6 : i32
        %get3A_971 = arith.index_cast %scan3A_18 : i32 to index
        %get3A_972 = arith.index_cast %get3A_970 : i32 to index
        %get3A_973 = arith.constant 64 : index
        %get3A_974 = tpu.vector_load %arg4[%get3A_971, %get3A_972, %get3A_973] {strides = array<i32>} : memref<8x32x128xf32, #tpu.memory_space<vmem>>, vector<1x1x16xf32>,
        %get3A_975 = vector.shape_cast %get3A_974 : vector<1x1x16xf32> to vector<16xf32>
        %add3A_976 = arith.addf %add3A_969, %get3A_975 : vector<16xf32>
        %get3A_977 = arith.constant 7 : i32
        %get3A_978 = arith.index_cast %scan3A_18 : i32 to index
        %get3A_979 = arith.index_cast %get3A_977 : i32 to index
        %get3A_980 = arith.constant 64 : index
        %get3A_981 = tpu.vector_load %arg4[%get3A_978, %get3A_979, %get3A_980] {strides = array<i32>} : memref<8x32x128xf32, #tpu.memory_space<vmem>>, vector<1x1x16xf32>,
        %get3A_982 = vector.shape_cast %get3A_981 : vector<1x1x16xf32> to vector<16xf32>
        %add3A_983 = arith.addf %add3A_976, %get3A_982 : vector<16xf32>
        %get3A_984 = arith.constant 8 : i32
        %get3A_985 = arith.index_cast %scan3A_18 : i32 to index
        %get3A_986 = arith.index_cast %get3A_984 : i32 to index
        %get3A_987 = arith.constant 64 : index
        %get3A_988 = tpu.vector_load %arg4[%get3A_985, %get3A_986, %get3A_987] {strides = array<i32>} : memref<8x32x128xf32, #tpu.memory_space<vmem>>, vector<1x1x16xf32>,
        %get3A_989 = vector.shape_cast %get3A_988 : vector<1x1x16xf32> to vector<16xf32>
        %add3A_990 = arith.addf %add3A_983, %get3A_989 : vector<16xf32>
        %get3A_991 = arith.constant 9 : i32
        %get3A_992 = arith.index_cast %scan3A_18 : i32 to index
        %get3A_993 = arith.index_cast %get3A_991 : i32 to index
        %get3A_994 = arith.constant 64 : index
        %get3A_995 = tpu.vector_load %arg4[%get3A_992, %get3A_993, %get3A_994] {strides = array<i32>} : memref<8x32x128xf32, #tpu.memory_space<vmem>>, vector<1x1x16xf32>,
        %get3A_996 = vector.shape_cast %get3A_995 : vector<1x1x16xf32> to vector<16xf32>
        %add3A_997 = arith.addf %add3A_990, %get3A_996 : vector<16xf32>
        %get3A_998 = arith.constant 10 : i32
        %get3A_999 = arith.index_cast %scan3A_18 : i32 to index
        %get3A_1000 = arith.index_cast %get3A_998 : i32 to index
        %get3A_1001 = arith.constant 64 : index
        %get3A_1002 = tpu.vector_load %arg4[%get3A_999, %get3A_1000, %get3A_1001] {strides = array<i32>} : memref<8x32x128xf32, #tpu.memory_space<vmem>>, vector<1x1x16xf32>,
        %get3A_1003 = vector.shape_cast %get3A_1002 : vector<1x1x16xf32> to vector<16xf32>
        %add3A_1004 = arith.addf %add3A_997, %get3A_1003 : vector<16xf32>
        %get3A_1005 = arith.constant 11 : i32
        %get3A_1006 = arith.index_cast %scan3A_18 : i32 to index
        %get3A_1007 = arith.index_cast %get3A_1005 : i32 to index
        %get3A_1008 = arith.constant 64 : index
        %get3A_1009 = tpu.vector_load %arg4[%get3A_1006, %get3A_1007, %get3A_1008] {strides = array<i32>} : memref<8x32x128xf32, #tpu.memory_space<vmem>>, vector<1x1x16xf32>,
        %get3A_1010 = vector.shape_cast %get3A_1009 : vector<1x1x16xf32> to vector<16xf32>
        %add3A_1011 = arith.addf %add3A_1004, %get3A_1010 : vector<16xf32>
        %get3A_1012 = arith.constant 12 : i32
        %get3A_1013 = arith.index_cast %scan3A_18 : i32 to index
        %get3A_1014 = arith.index_cast %get3A_1012 : i32 to index
        %get3A_1015 = arith.constant 64 : index
        %get3A_1016 = tpu.vector_load %arg4[%get3A_1013, %get3A_1014, %get3A_1015] {strides = array<i32>} : memref<8x32x128xf32, #tpu.memory_space<vmem>>, vector<1x1x16xf32>,
        %get3A_1017 = vector.shape_cast %get3A_1016 : vector<1x1x16xf32> to vector<16xf32>
        %add3A_1018 = arith.addf %add3A_1011, %get3A_1017 : vector<16xf32>
        %get3A_1019 = arith.constant 13 : i32
        %get3A_1020 = arith.index_cast %scan3A_18 : i32 to index
        %get3A_1021 = arith.index_cast %get3A_1019 : i32 to index
        %get3A_1022 = arith.constant 64 : index
        %get3A_1023 = tpu.vector_load %arg4[%get3A_1020, %get3A_1021, %get3A_1022] {strides = array<i32>} : memref<8x32x128xf32, #tpu.memory_space<vmem>>, vector<1x1x16xf32>,
        %get3A_1024 = vector.shape_cast %get3A_1023 : vector<1x1x16xf32> to vector<16xf32>
        %add3A_1025 = arith.addf %add3A_1018, %get3A_1024 : vector<16xf32>
        %get3A_1026 = arith.constant 14 : i32
        %get3A_1027 = arith.index_cast %scan3A_18 : i32 to index
        %get3A_1028 = arith.index_cast %get3A_1026 : i32 to index
        %get3A_1029 = arith.constant 64 : index
        %get3A_1030 = tpu.vector_load %arg4[%get3A_1027, %get3A_1028, %get3A_1029] {strides = array<i32>} : memref<8x32x128xf32, #tpu.memory_space<vmem>>, vector<1x1x16xf32>,
        %get3A_1031 = vector.shape_cast %get3A_1030 : vector<1x1x16xf32> to vector<16xf32>
        %add3A_1032 = arith.addf %add3A_1025, %get3A_1031 : vector<16xf32>
        %get3A_1033 = arith.constant 15 : i32
        %get3A_1034 = arith.index_cast %scan3A_18 : i32 to index
        %get3A_1035 = arith.index_cast %get3A_1033 : i32 to index
        %get3A_1036 = arith.constant 64 : index
        %get3A_1037 = tpu.vector_load %arg4[%get3A_1034, %get3A_1035, %get3A_1036] {strides = array<i32>} : memref<8x32x128xf32, #tpu.memory_space<vmem>>, vector<1x1x16xf32>,
        %get3A_1038 = vector.shape_cast %get3A_1037 : vector<1x1x16xf32> to vector<16xf32>
        %add3A_1039 = arith.addf %add3A_1032, %get3A_1038 : vector<16xf32>
        %get3A_1040 = arith.constant 16 : i32
        %get3A_1041 = arith.index_cast %scan3A_18 : i32 to index
        %get3A_1042 = arith.index_cast %get3A_1040 : i32 to index
        %get3A_1043 = arith.constant 64 : index
        %get3A_1044 = tpu.vector_load %arg4[%get3A_1041, %get3A_1042, %get3A_1043] {strides = array<i32>} : memref<8x32x128xf32, #tpu.memory_space<vmem>>, vector<1x1x16xf32>,
        %get3A_1045 = vector.shape_cast %get3A_1044 : vector<1x1x16xf32> to vector<16xf32>
        %add3A_1046 = arith.addf %add3A_1039, %get3A_1045 : vector<16xf32>
        %get3A_1047 = arith.constant 17 : i32
        %get3A_1048 = arith.index_cast %scan3A_18 : i32 to index
        %get3A_1049 = arith.index_cast %get3A_1047 : i32 to index
        %get3A_1050 = arith.constant 64 : index
        %get3A_1051 = tpu.vector_load %arg4[%get3A_1048, %get3A_1049, %get3A_1050] {strides = array<i32>} : memref<8x32x128xf32, #tpu.memory_space<vmem>>, vector<1x1x16xf32>,
        %get3A_1052 = vector.shape_cast %get3A_1051 : vector<1x1x16xf32> to vector<16xf32>
        %add3A_1053 = arith.addf %add3A_1046, %get3A_1052 : vector<16xf32>
        %get3A_1054 = arith.constant 18 : i32
        %get3A_1055 = arith.index_cast %scan3A_18 : i32 to index
        %get3A_1056 = arith.index_cast %get3A_1054 : i32 to index
        %get3A_1057 = arith.constant 64 : index
        %get3A_1058 = tpu.vector_load %arg4[%get3A_1055, %get3A_1056, %get3A_1057] {strides = array<i32>} : memref<8x32x128xf32, #tpu.memory_space<vmem>>, vector<1x1x16xf32>,
        %get3A_1059 = vector.shape_cast %get3A_1058 : vector<1x1x16xf32> to vector<16xf32>
        %add3A_1060 = arith.addf %add3A_1053, %get3A_1059 : vector<16xf32>
        %get3A_1061 = arith.constant 19 : i32
        %get3A_1062 = arith.index_cast %scan3A_18 : i32 to index
        %get3A_1063 = arith.index_cast %get3A_1061 : i32 to index
        %get3A_1064 = arith.constant 64 : index
        %get3A_1065 = tpu.vector_load %arg4[%get3A_1062, %get3A_1063, %get3A_1064] {strides = array<i32>} : memref<8x32x128xf32, #tpu.memory_space<vmem>>, vector<1x1x16xf32>,
        %get3A_1066 = vector.shape_cast %get3A_1065 : vector<1x1x16xf32> to vector<16xf32>
        %add3A_1067 = arith.addf %add3A_1060, %get3A_1066 : vector<16xf32>
        %get3A_1068 = arith.constant 20 : i32
        %get3A_1069 = arith.index_cast %scan3A_18 : i32 to index
        %get3A_1070 = arith.index_cast %get3A_1068 : i32 to index
        %get3A_1071 = arith.constant 64 : index
        %get3A_1072 = tpu.vector_load %arg4[%get3A_1069, %get3A_1070, %get3A_1071] {strides = array<i32>} : memref<8x32x128xf32, #tpu.memory_space<vmem>>, vector<1x1x16xf32>,
        %get3A_1073 = vector.shape_cast %get3A_1072 : vector<1x1x16xf32> to vector<16xf32>
        %add3A_1074 = arith.addf %add3A_1067, %get3A_1073 : vector<16xf32>
        %get3A_1075 = arith.constant 21 : i32
        %get3A_1076 = arith.index_cast %scan3A_18 : i32 to index
        %get3A_1077 = arith.index_cast %get3A_1075 : i32 to index
        %get3A_1078 = arith.constant 64 : index
        %get3A_1079 = tpu.vector_load %arg4[%get3A_1076, %get3A_1077, %get3A_1078] {strides = array<i32>} : memref<8x32x128xf32, #tpu.memory_space<vmem>>, vector<1x1x16xf32>,
        %get3A_1080 = vector.shape_cast %get3A_1079 : vector<1x1x16xf32> to vector<16xf32>
        %add3A_1081 = arith.addf %add3A_1074, %get3A_1080 : vector<16xf32>
        %get3A_1082 = arith.constant 22 : i32
        %get3A_1083 = arith.index_cast %scan3A_18 : i32 to index
        %get3A_1084 = arith.index_cast %get3A_1082 : i32 to index
        %get3A_1085 = arith.constant 64 : index
        %get3A_1086 = tpu.vector_load %arg4[%get3A_1083, %get3A_1084, %get3A_1085] {strides = array<i32>} : memref<8x32x128xf32, #tpu.memory_space<vmem>>, vector<1x1x16xf32>,
        %get3A_1087 = vector.shape_cast %get3A_1086 : vector<1x1x16xf32> to vector<16xf32>
        %add3A_1088 = arith.addf %add3A_1081, %get3A_1087 : vector<16xf32>
        %get3A_1089 = arith.constant 23 : i32
        %get3A_1090 = arith.index_cast %scan3A_18 : i32 to index
        %get3A_1091 = arith.index_cast %get3A_1089 : i32 to index
        %get3A_1092 = arith.constant 64 : index
        %get3A_1093 = tpu.vector_load %arg4[%get3A_1090, %get3A_1091, %get3A_1092] {strides = array<i32>} : memref<8x32x128xf32, #tpu.memory_space<vmem>>, vector<1x1x16xf32>,
        %get3A_1094 = vector.shape_cast %get3A_1093 : vector<1x1x16xf32> to vector<16xf32>
        %add3A_1095 = arith.addf %add3A_1088, %get3A_1094 : vector<16xf32>
        %get3A_1096 = arith.constant 24 : i32
        %get3A_1097 = arith.index_cast %scan3A_18 : i32 to index
        %get3A_1098 = arith.index_cast %get3A_1096 : i32 to index
        %get3A_1099 = arith.constant 64 : index
        %get3A_1100 = tpu.vector_load %arg4[%get3A_1097, %get3A_1098, %get3A_1099] {strides = array<i32>} : memref<8x32x128xf32, #tpu.memory_space<vmem>>, vector<1x1x16xf32>,
        %get3A_1101 = vector.shape_cast %get3A_1100 : vector<1x1x16xf32> to vector<16xf32>
        %add3A_1102 = arith.addf %add3A_1095, %get3A_1101 : vector<16xf32>
        %get3A_1103 = arith.constant 25 : i32
        %get3A_1104 = arith.index_cast %scan3A_18 : i32 to index
        %get3A_1105 = arith.index_cast %get3A_1103 : i32 to index
        %get3A_1106 = arith.constant 64 : index
        %get3A_1107 = tpu.vector_load %arg4[%get3A_1104, %get3A_1105, %get3A_1106] {strides = array<i32>} : memref<8x32x128xf32, #tpu.memory_space<vmem>>, vector<1x1x16xf32>,
        %get3A_1108 = vector.shape_cast %get3A_1107 : vector<1x1x16xf32> to vector<16xf32>
        %add3A_1109 = arith.addf %add3A_1102, %get3A_1108 : vector<16xf32>
        %get3A_1110 = arith.constant 26 : i32
        %get3A_1111 = arith.index_cast %scan3A_18 : i32 to index
        %get3A_1112 = arith.index_cast %get3A_1110 : i32 to index
        %get3A_1113 = arith.constant 64 : index
        %get3A_1114 = tpu.vector_load %arg4[%get3A_1111, %get3A_1112, %get3A_1113] {strides = array<i32>} : memref<8x32x128xf32, #tpu.memory_space<vmem>>, vector<1x1x16xf32>,
        %get3A_1115 = vector.shape_cast %get3A_1114 : vector<1x1x16xf32> to vector<16xf32>
        %add3A_1116 = arith.addf %add3A_1109, %get3A_1115 : vector<16xf32>
        %get3A_1117 = arith.constant 27 : i32
        %get3A_1118 = arith.index_cast %scan3A_18 : i32 to index
        %get3A_1119 = arith.index_cast %get3A_1117 : i32 to index
        %get3A_1120 = arith.constant 64 : index
        %get3A_1121 = tpu.vector_load %arg4[%get3A_1118, %get3A_1119, %get3A_1120] {strides = array<i32>} : memref<8x32x128xf32, #tpu.memory_space<vmem>>, vector<1x1x16xf32>,
        %get3A_1122 = vector.shape_cast %get3A_1121 : vector<1x1x16xf32> to vector<16xf32>
        %add3A_1123 = arith.addf %add3A_1116, %get3A_1122 : vector<16xf32>
        %get3A_1124 = arith.constant 28 : i32
        %get3A_1125 = arith.index_cast %scan3A_18 : i32 to index
        %get3A_1126 = arith.index_cast %get3A_1124 : i32 to index
        %get3A_1127 = arith.constant 64 : index
        %get3A_1128 = tpu.vector_load %arg4[%get3A_1125, %get3A_1126, %get3A_1127] {strides = array<i32>} : memref<8x32x128xf32, #tpu.memory_space<vmem>>, vector<1x1x16xf32>,
        %get3A_1129 = vector.shape_cast %get3A_1128 : vector<1x1x16xf32> to vector<16xf32>
        %add3A_1130 = arith.addf %add3A_1123, %get3A_1129 : vector<16xf32>
        %get3A_1131 = arith.constant 29 : i32
        %get3A_1132 = arith.index_cast %scan3A_18 : i32 to index
        %get3A_1133 = arith.index_cast %get3A_1131 : i32 to index
        %get3A_1134 = arith.constant 64 : index
        %get3A_1135 = tpu.vector_load %arg4[%get3A_1132, %get3A_1133, %get3A_1134] {strides = array<i32>} : memref<8x32x128xf32, #tpu.memory_space<vmem>>, vector<1x1x16xf32>,
        %get3A_1136 = vector.shape_cast %get3A_1135 : vector<1x1x16xf32> to vector<16xf32>
        %add3A_1137 = arith.addf %add3A_1130, %get3A_1136 : vector<16xf32>
        %get3A_1138 = arith.constant 30 : i32
        %get3A_1139 = arith.index_cast %scan3A_18 : i32 to index
        %get3A_1140 = arith.index_cast %get3A_1138 : i32 to index
        %get3A_1141 = arith.constant 64 : index
        %get3A_1142 = tpu.vector_load %arg4[%get3A_1139, %get3A_1140, %get3A_1141] {strides = array<i32>} : memref<8x32x128xf32, #tpu.memory_space<vmem>>, vector<1x1x16xf32>,
        %get3A_1143 = vector.shape_cast %get3A_1142 : vector<1x1x16xf32> to vector<16xf32>
        %add3A_1144 = arith.addf %add3A_1137, %get3A_1143 : vector<16xf32>
        %get3A_1145 = arith.constant 31 : i32
        %get3A_1146 = arith.index_cast %scan3A_18 : i32 to index
        %get3A_1147 = arith.index_cast %get3A_1145 : i32 to index
        %get3A_1148 = arith.constant 64 : index
        %get3A_1149 = tpu.vector_load %arg4[%get3A_1146, %get3A_1147, %get3A_1148] {strides = array<i32>} : memref<8x32x128xf32, #tpu.memory_space<vmem>>, vector<1x1x16xf32>,
        %get3A_1150 = vector.shape_cast %get3A_1149 : vector<1x1x16xf32> to vector<16xf32>
        %add3A_1151 = arith.addf %add3A_1144, %get3A_1150 : vector<16xf32>
        %swap3A_1152 = arith.index_cast %scan3A_18 : i32 to index
        %swap3A_1153 = arith.constant 64 : index
        %swap3A_1154 = tpu.vector_load %arg5[%swap3A_1152, %swap3A_1153] {strides = array<i32>} : memref<8x128xf32, #tpu.memory_space<vmem>>, vector<1x16xf32>,
        %swap3A_1155 = vector.shape_cast %swap3A_1154 : vector<1x16xf32> to vector<16xf32>
        %swap3A_1156 = vector.shape_cast %add3A_1151 : vector<16xf32> to vector<1x16xf32>
        tpu.vector_store %arg5[%swap3A_1152, %swap3A_1153], %swap3A_1156 {strides = array<i32>} : memref<8x128xf32, #tpu.memory_space<vmem>>, vector<1x16xf32>,
        %get3A_1157 = arith.constant 0 : i32
        %get3A_1158 = arith.index_cast %scan3A_18 : i32 to index
        %get3A_1159 = arith.index_cast %get3A_1157 : i32 to index
        %get3A_1160 = arith.constant 80 : index
        %get3A_1161 = tpu.vector_load %arg4[%get3A_1158, %get3A_1159, %get3A_1160] {strides = array<i32>} : memref<8x32x128xf32, #tpu.memory_space<vmem>>, vector<1x1x16xf32>,
        %get3A_1162 = vector.shape_cast %get3A_1161 : vector<1x1x16xf32> to vector<16xf32>
        %get3A_1163 = arith.constant 1 : i32
        %get3A_1164 = arith.index_cast %scan3A_18 : i32 to index
        %get3A_1165 = arith.index_cast %get3A_1163 : i32 to index
        %get3A_1166 = arith.constant 80 : index
        %get3A_1167 = tpu.vector_load %arg4[%get3A_1164, %get3A_1165, %get3A_1166] {strides = array<i32>} : memref<8x32x128xf32, #tpu.memory_space<vmem>>, vector<1x1x16xf32>,
        %get3A_1168 = vector.shape_cast %get3A_1167 : vector<1x1x16xf32> to vector<16xf32>
        %add3A_1169 = arith.addf %get3A_1162, %get3A_1168 : vector<16xf32>
        %get3A_1170 = arith.constant 2 : i32
        %get3A_1171 = arith.index_cast %scan3A_18 : i32 to index
        %get3A_1172 = arith.index_cast %get3A_1170 : i32 to index
        %get3A_1173 = arith.constant 80 : index
        %get3A_1174 = tpu.vector_load %arg4[%get3A_1171, %get3A_1172, %get3A_1173] {strides = array<i32>} : memref<8x32x128xf32, #tpu.memory_space<vmem>>, vector<1x1x16xf32>,
        %get3A_1175 = vector.shape_cast %get3A_1174 : vector<1x1x16xf32> to vector<16xf32>
        %add3A_1176 = arith.addf %add3A_1169, %get3A_1175 : vector<16xf32>
        %get3A_1177 = arith.constant 3 : i32
        %get3A_1178 = arith.index_cast %scan3A_18 : i32 to index
        %get3A_1179 = arith.index_cast %get3A_1177 : i32 to index
        %get3A_1180 = arith.constant 80 : index
        %get3A_1181 = tpu.vector_load %arg4[%get3A_1178, %get3A_1179, %get3A_1180] {strides = array<i32>} : memref<8x32x128xf32, #tpu.memory_space<vmem>>, vector<1x1x16xf32>,
        %get3A_1182 = vector.shape_cast %get3A_1181 : vector<1x1x16xf32> to vector<16xf32>
        %add3A_1183 = arith.addf %add3A_1176, %get3A_1182 : vector<16xf32>
        %get3A_1184 = arith.constant 4 : i32
        %get3A_1185 = arith.index_cast %scan3A_18 : i32 to index
        %get3A_1186 = arith.index_cast %get3A_1184 : i32 to index
        %get3A_1187 = arith.constant 80 : index
        %get3A_1188 = tpu.vector_load %arg4[%get3A_1185, %get3A_1186, %get3A_1187] {strides = array<i32>} : memref<8x32x128xf32, #tpu.memory_space<vmem>>, vector<1x1x16xf32>,
        %get3A_1189 = vector.shape_cast %get3A_1188 : vector<1x1x16xf32> to vector<16xf32>
        %add3A_1190 = arith.addf %add3A_1183, %get3A_1189 : vector<16xf32>
        %get3A_1191 = arith.constant 5 : i32
        %get3A_1192 = arith.index_cast %scan3A_18 : i32 to index
        %get3A_1193 = arith.index_cast %get3A_1191 : i32 to index
        %get3A_1194 = arith.constant 80 : index
        %get3A_1195 = tpu.vector_load %arg4[%get3A_1192, %get3A_1193, %get3A_1194] {strides = array<i32>} : memref<8x32x128xf32, #tpu.memory_space<vmem>>, vector<1x1x16xf32>,
        %get3A_1196 = vector.shape_cast %get3A_1195 : vector<1x1x16xf32> to vector<16xf32>
        %add3A_1197 = arith.addf %add3A_1190, %get3A_1196 : vector<16xf32>
        %get3A_1198 = arith.constant 6 : i32
        %get3A_1199 = arith.index_cast %scan3A_18 : i32 to index
        %get3A_1200 = arith.index_cast %get3A_1198 : i32 to index
        %get3A_1201 = arith.constant 80 : index
        %get3A_1202 = tpu.vector_load %arg4[%get3A_1199, %get3A_1200, %get3A_1201] {strides = array<i32>} : memref<8x32x128xf32, #tpu.memory_space<vmem>>, vector<1x1x16xf32>,
        %get3A_1203 = vector.shape_cast %get3A_1202 : vector<1x1x16xf32> to vector<16xf32>
        %add3A_1204 = arith.addf %add3A_1197, %get3A_1203 : vector<16xf32>
        %get3A_1205 = arith.constant 7 : i32
        %get3A_1206 = arith.index_cast %scan3A_18 : i32 to index
        %get3A_1207 = arith.index_cast %get3A_1205 : i32 to index
        %get3A_1208 = arith.constant 80 : index
        %get3A_1209 = tpu.vector_load %arg4[%get3A_1206, %get3A_1207, %get3A_1208] {strides = array<i32>} : memref<8x32x128xf32, #tpu.memory_space<vmem>>, vector<1x1x16xf32>,
        %get3A_1210 = vector.shape_cast %get3A_1209 : vector<1x1x16xf32> to vector<16xf32>
        %add3A_1211 = arith.addf %add3A_1204, %get3A_1210 : vector<16xf32>
        %get3A_1212 = arith.constant 8 : i32
        %get3A_1213 = arith.index_cast %scan3A_18 : i32 to index
        %get3A_1214 = arith.index_cast %get3A_1212 : i32 to index
        %get3A_1215 = arith.constant 80 : index
        %get3A_1216 = tpu.vector_load %arg4[%get3A_1213, %get3A_1214, %get3A_1215] {strides = array<i32>} : memref<8x32x128xf32, #tpu.memory_space<vmem>>, vector<1x1x16xf32>,
        %get3A_1217 = vector.shape_cast %get3A_1216 : vector<1x1x16xf32> to vector<16xf32>
        %add3A_1218 = arith.addf %add3A_1211, %get3A_1217 : vector<16xf32>
        %get3A_1219 = arith.constant 9 : i32
        %get3A_1220 = arith.index_cast %scan3A_18 : i32 to index
        %get3A_1221 = arith.index_cast %get3A_1219 : i32 to index
        %get3A_1222 = arith.constant 80 : index
        %get3A_1223 = tpu.vector_load %arg4[%get3A_1220, %get3A_1221, %get3A_1222] {strides = array<i32>} : memref<8x32x128xf32, #tpu.memory_space<vmem>>, vector<1x1x16xf32>,
        %get3A_1224 = vector.shape_cast %get3A_1223 : vector<1x1x16xf32> to vector<16xf32>
        %add3A_1225 = arith.addf %add3A_1218, %get3A_1224 : vector<16xf32>
        %get3A_1226 = arith.constant 10 : i32
        %get3A_1227 = arith.index_cast %scan3A_18 : i32 to index
        %get3A_1228 = arith.index_cast %get3A_1226 : i32 to index
        %get3A_1229 = arith.constant 80 : index
        %get3A_1230 = tpu.vector_load %arg4[%get3A_1227, %get3A_1228, %get3A_1229] {strides = array<i32>} : memref<8x32x128xf32, #tpu.memory_space<vmem>>, vector<1x1x16xf32>,
        %get3A_1231 = vector.shape_cast %get3A_1230 : vector<1x1x16xf32> to vector<16xf32>
        %add3A_1232 = arith.addf %add3A_1225, %get3A_1231 : vector<16xf32>
        %get3A_1233 = arith.constant 11 : i32
        %get3A_1234 = arith.index_cast %scan3A_18 : i32 to index
        %get3A_1235 = arith.index_cast %get3A_1233 : i32 to index
        %get3A_1236 = arith.constant 80 : index
        %get3A_1237 = tpu.vector_load %arg4[%get3A_1234, %get3A_1235, %get3A_1236] {strides = array<i32>} : memref<8x32x128xf32, #tpu.memory_space<vmem>>, vector<1x1x16xf32>,
        %get3A_1238 = vector.shape_cast %get3A_1237 : vector<1x1x16xf32> to vector<16xf32>
        %add3A_1239 = arith.addf %add3A_1232, %get3A_1238 : vector<16xf32>
        %get3A_1240 = arith.constant 12 : i32
        %get3A_1241 = arith.index_cast %scan3A_18 : i32 to index
        %get3A_1242 = arith.index_cast %get3A_1240 : i32 to index
        %get3A_1243 = arith.constant 80 : index
        %get3A_1244 = tpu.vector_load %arg4[%get3A_1241, %get3A_1242, %get3A_1243] {strides = array<i32>} : memref<8x32x128xf32, #tpu.memory_space<vmem>>, vector<1x1x16xf32>,
        %get3A_1245 = vector.shape_cast %get3A_1244 : vector<1x1x16xf32> to vector<16xf32>
        %add3A_1246 = arith.addf %add3A_1239, %get3A_1245 : vector<16xf32>
        %get3A_1247 = arith.constant 13 : i32
        %get3A_1248 = arith.index_cast %scan3A_18 : i32 to index
        %get3A_1249 = arith.index_cast %get3A_1247 : i32 to index
        %get3A_1250 = arith.constant 80 : index
        %get3A_1251 = tpu.vector_load %arg4[%get3A_1248, %get3A_1249, %get3A_1250] {strides = array<i32>} : memref<8x32x128xf32, #tpu.memory_space<vmem>>, vector<1x1x16xf32>,
        %get3A_1252 = vector.shape_cast %get3A_1251 : vector<1x1x16xf32> to vector<16xf32>
        %add3A_1253 = arith.addf %add3A_1246, %get3A_1252 : vector<16xf32>
        %get3A_1254 = arith.constant 14 : i32
        %get3A_1255 = arith.index_cast %scan3A_18 : i32 to index
        %get3A_1256 = arith.index_cast %get3A_1254 : i32 to index
        %get3A_1257 = arith.constant 80 : index
        %get3A_1258 = tpu.vector_load %arg4[%get3A_1255, %get3A_1256, %get3A_1257] {strides = array<i32>} : memref<8x32x128xf32, #tpu.memory_space<vmem>>, vector<1x1x16xf32>,
        %get3A_1259 = vector.shape_cast %get3A_1258 : vector<1x1x16xf32> to vector<16xf32>
        %add3A_1260 = arith.addf %add3A_1253, %get3A_1259 : vector<16xf32>
        %get3A_1261 = arith.constant 15 : i32
        %get3A_1262 = arith.index_cast %scan3A_18 : i32 to index
        %get3A_1263 = arith.index_cast %get3A_1261 : i32 to index
        %get3A_1264 = arith.constant 80 : index
        %get3A_1265 = tpu.vector_load %arg4[%get3A_1262, %get3A_1263, %get3A_1264] {strides = array<i32>} : memref<8x32x128xf32, #tpu.memory_space<vmem>>, vector<1x1x16xf32>,
        %get3A_1266 = vector.shape_cast %get3A_1265 : vector<1x1x16xf32> to vector<16xf32>
        %add3A_1267 = arith.addf %add3A_1260, %get3A_1266 : vector<16xf32>
        %get3A_1268 = arith.constant 16 : i32
        %get3A_1269 = arith.index_cast %scan3A_18 : i32 to index
        %get3A_1270 = arith.index_cast %get3A_1268 : i32 to index
        %get3A_1271 = arith.constant 80 : index
        %get3A_1272 = tpu.vector_load %arg4[%get3A_1269, %get3A_1270, %get3A_1271] {strides = array<i32>} : memref<8x32x128xf32, #tpu.memory_space<vmem>>, vector<1x1x16xf32>,
        %get3A_1273 = vector.shape_cast %get3A_1272 : vector<1x1x16xf32> to vector<16xf32>
        %add3A_1274 = arith.addf %add3A_1267, %get3A_1273 : vector<16xf32>
        %get3A_1275 = arith.constant 17 : i32
        %get3A_1276 = arith.index_cast %scan3A_18 : i32 to index
        %get3A_1277 = arith.index_cast %get3A_1275 : i32 to index
        %get3A_1278 = arith.constant 80 : index
        %get3A_1279 = tpu.vector_load %arg4[%get3A_1276, %get3A_1277, %get3A_1278] {strides = array<i32>} : memref<8x32x128xf32, #tpu.memory_space<vmem>>, vector<1x1x16xf32>,
        %get3A_1280 = vector.shape_cast %get3A_1279 : vector<1x1x16xf32> to vector<16xf32>
        %add3A_1281 = arith.addf %add3A_1274, %get3A_1280 : vector<16xf32>
        %get3A_1282 = arith.constant 18 : i32
        %get3A_1283 = arith.index_cast %scan3A_18 : i32 to index
        %get3A_1284 = arith.index_cast %get3A_1282 : i32 to index
        %get3A_1285 = arith.constant 80 : index
        %get3A_1286 = tpu.vector_load %arg4[%get3A_1283, %get3A_1284, %get3A_1285] {strides = array<i32>} : memref<8x32x128xf32, #tpu.memory_space<vmem>>, vector<1x1x16xf32>,
        %get3A_1287 = vector.shape_cast %get3A_1286 : vector<1x1x16xf32> to vector<16xf32>
        %add3A_1288 = arith.addf %add3A_1281, %get3A_1287 : vector<16xf32>
        %get3A_1289 = arith.constant 19 : i32
        %get3A_1290 = arith.index_cast %scan3A_18 : i32 to index
        %get3A_1291 = arith.index_cast %get3A_1289 : i32 to index
        %get3A_1292 = arith.constant 80 : index
        %get3A_1293 = tpu.vector_load %arg4[%get3A_1290, %get3A_1291, %get3A_1292] {strides = array<i32>} : memref<8x32x128xf32, #tpu.memory_space<vmem>>, vector<1x1x16xf32>,
        %get3A_1294 = vector.shape_cast %get3A_1293 : vector<1x1x16xf32> to vector<16xf32>
        %add3A_1295 = arith.addf %add3A_1288, %get3A_1294 : vector<16xf32>
        %get3A_1296 = arith.constant 20 : i32
        %get3A_1297 = arith.index_cast %scan3A_18 : i32 to index
        %get3A_1298 = arith.index_cast %get3A_1296 : i32 to index
        %get3A_1299 = arith.constant 80 : index
        %get3A_1300 = tpu.vector_load %arg4[%get3A_1297, %get3A_1298, %get3A_1299] {strides = array<i32>} : memref<8x32x128xf32, #tpu.memory_space<vmem>>, vector<1x1x16xf32>,
        %get3A_1301 = vector.shape_cast %get3A_1300 : vector<1x1x16xf32> to vector<16xf32>
        %add3A_1302 = arith.addf %add3A_1295, %get3A_1301 : vector<16xf32>
        %get3A_1303 = arith.constant 21 : i32
        %get3A_1304 = arith.index_cast %scan3A_18 : i32 to index
        %get3A_1305 = arith.index_cast %get3A_1303 : i32 to index
        %get3A_1306 = arith.constant 80 : index
        %get3A_1307 = tpu.vector_load %arg4[%get3A_1304, %get3A_1305, %get3A_1306] {strides = array<i32>} : memref<8x32x128xf32, #tpu.memory_space<vmem>>, vector<1x1x16xf32>,
        %get3A_1308 = vector.shape_cast %get3A_1307 : vector<1x1x16xf32> to vector<16xf32>
        %add3A_1309 = arith.addf %add3A_1302, %get3A_1308 : vector<16xf32>
        %get3A_1310 = arith.constant 22 : i32
        %get3A_1311 = arith.index_cast %scan3A_18 : i32 to index
        %get3A_1312 = arith.index_cast %get3A_1310 : i32 to index
        %get3A_1313 = arith.constant 80 : index
        %get3A_1314 = tpu.vector_load %arg4[%get3A_1311, %get3A_1312, %get3A_1313] {strides = array<i32>} : memref<8x32x128xf32, #tpu.memory_space<vmem>>, vector<1x1x16xf32>,
        %get3A_1315 = vector.shape_cast %get3A_1314 : vector<1x1x16xf32> to vector<16xf32>
        %add3A_1316 = arith.addf %add3A_1309, %get3A_1315 : vector<16xf32>
        %get3A_1317 = arith.constant 23 : i32
        %get3A_1318 = arith.index_cast %scan3A_18 : i32 to index
        %get3A_1319 = arith.index_cast %get3A_1317 : i32 to index
        %get3A_1320 = arith.constant 80 : index
        %get3A_1321 = tpu.vector_load %arg4[%get3A_1318, %get3A_1319, %get3A_1320] {strides = array<i32>} : memref<8x32x128xf32, #tpu.memory_space<vmem>>, vector<1x1x16xf32>,
        %get3A_1322 = vector.shape_cast %get3A_1321 : vector<1x1x16xf32> to vector<16xf32>
        %add3A_1323 = arith.addf %add3A_1316, %get3A_1322 : vector<16xf32>
        %get3A_1324 = arith.constant 24 : i32
        %get3A_1325 = arith.index_cast %scan3A_18 : i32 to index
        %get3A_1326 = arith.index_cast %get3A_1324 : i32 to index
        %get3A_1327 = arith.constant 80 : index
        %get3A_1328 = tpu.vector_load %arg4[%get3A_1325, %get3A_1326, %get3A_1327] {strides = array<i32>} : memref<8x32x128xf32, #tpu.memory_space<vmem>>, vector<1x1x16xf32>,
        %get3A_1329 = vector.shape_cast %get3A_1328 : vector<1x1x16xf32> to vector<16xf32>
        %add3A_1330 = arith.addf %add3A_1323, %get3A_1329 : vector<16xf32>
        %get3A_1331 = arith.constant 25 : i32
        %get3A_1332 = arith.index_cast %scan3A_18 : i32 to index
        %get3A_1333 = arith.index_cast %get3A_1331 : i32 to index
        %get3A_1334 = arith.constant 80 : index
        %get3A_1335 = tpu.vector_load %arg4[%get3A_1332, %get3A_1333, %get3A_1334] {strides = array<i32>} : memref<8x32x128xf32, #tpu.memory_space<vmem>>, vector<1x1x16xf32>,
        %get3A_1336 = vector.shape_cast %get3A_1335 : vector<1x1x16xf32> to vector<16xf32>
        %add3A_1337 = arith.addf %add3A_1330, %get3A_1336 : vector<16xf32>
        %get3A_1338 = arith.constant 26 : i32
        %get3A_1339 = arith.index_cast %scan3A_18 : i32 to index
        %get3A_1340 = arith.index_cast %get3A_1338 : i32 to index
        %get3A_1341 = arith.constant 80 : index
        %get3A_1342 = tpu.vector_load %arg4[%get3A_1339, %get3A_1340, %get3A_1341] {strides = array<i32>} : memref<8x32x128xf32, #tpu.memory_space<vmem>>, vector<1x1x16xf32>,
        %get3A_1343 = vector.shape_cast %get3A_1342 : vector<1x1x16xf32> to vector<16xf32>
        %add3A_1344 = arith.addf %add3A_1337, %get3A_1343 : vector<16xf32>
        %get3A_1345 = arith.constant 27 : i32
        %get3A_1346 = arith.index_cast %scan3A_18 : i32 to index
        %get3A_1347 = arith.index_cast %get3A_1345 : i32 to index
        %get3A_1348 = arith.constant 80 : index
        %get3A_1349 = tpu.vector_load %arg4[%get3A_1346, %get3A_1347, %get3A_1348] {strides = array<i32>} : memref<8x32x128xf32, #tpu.memory_space<vmem>>, vector<1x1x16xf32>,
        %get3A_1350 = vector.shape_cast %get3A_1349 : vector<1x1x16xf32> to vector<16xf32>
        %add3A_1351 = arith.addf %add3A_1344, %get3A_1350 : vector<16xf32>
        %get3A_1352 = arith.constant 28 : i32
        %get3A_1353 = arith.index_cast %scan3A_18 : i32 to index
        %get3A_1354 = arith.index_cast %get3A_1352 : i32 to index
        %get3A_1355 = arith.constant 80 : index
        %get3A_1356 = tpu.vector_load %arg4[%get3A_1353, %get3A_1354, %get3A_1355] {strides = array<i32>} : memref<8x32x128xf32, #tpu.memory_space<vmem>>, vector<1x1x16xf32>,
        %get3A_1357 = vector.shape_cast %get3A_1356 : vector<1x1x16xf32> to vector<16xf32>
        %add3A_1358 = arith.addf %add3A_1351, %get3A_1357 : vector<16xf32>
        %get3A_1359 = arith.constant 29 : i32
        %get3A_1360 = arith.index_cast %scan3A_18 : i32 to index
        %get3A_1361 = arith.index_cast %get3A_1359 : i32 to index
        %get3A_1362 = arith.constant 80 : index
        %get3A_1363 = tpu.vector_load %arg4[%get3A_1360, %get3A_1361, %get3A_1362] {strides = array<i32>} : memref<8x32x128xf32, #tpu.memory_space<vmem>>, vector<1x1x16xf32>,
        %get3A_1364 = vector.shape_cast %get3A_1363 : vector<1x1x16xf32> to vector<16xf32>
        %add3A_1365 = arith.addf %add3A_1358, %get3A_1364 : vector<16xf32>
        %get3A_1366 = arith.constant 30 : i32
        %get3A_1367 = arith.index_cast %scan3A_18 : i32 to index
        %get3A_1368 = arith.index_cast %get3A_1366 : i32 to index
        %get3A_1369 = arith.constant 80 : index
        %get3A_1370 = tpu.vector_load %arg4[%get3A_1367, %get3A_1368, %get3A_1369] {strides = array<i32>} : memref<8x32x128xf32, #tpu.memory_space<vmem>>, vector<1x1x16xf32>,
        %get3A_1371 = vector.shape_cast %get3A_1370 : vector<1x1x16xf32> to vector<16xf32>
        %add3A_1372 = arith.addf %add3A_1365, %get3A_1371 : vector<16xf32>
        %get3A_1373 = arith.constant 31 : i32
        %get3A_1374 = arith.index_cast %scan3A_18 : i32 to index
        %get3A_1375 = arith.index_cast %get3A_1373 : i32 to index
        %get3A_1376 = arith.constant 80 : index
        %get3A_1377 = tpu.vector_load %arg4[%get3A_1374, %get3A_1375, %get3A_1376] {strides = array<i32>} : memref<8x32x128xf32, #tpu.memory_space<vmem>>, vector<1x1x16xf32>,
        %get3A_1378 = vector.shape_cast %get3A_1377 : vector<1x1x16xf32> to vector<16xf32>
        %add3A_1379 = arith.addf %add3A_1372, %get3A_1378 : vector<16xf32>
        %swap3A_1380 = arith.index_cast %scan3A_18 : i32 to index
        %swap3A_1381 = arith.constant 80 : index
        %swap3A_1382 = tpu.vector_load %arg5[%swap3A_1380, %swap3A_1381] {strides = array<i32>} : memref<8x128xf32, #tpu.memory_space<vmem>>, vector<1x16xf32>,
        %swap3A_1383 = vector.shape_cast %swap3A_1382 : vector<1x16xf32> to vector<16xf32>
        %swap3A_1384 = vector.shape_cast %add3A_1379 : vector<16xf32> to vector<1x16xf32>
        tpu.vector_store %arg5[%swap3A_1380, %swap3A_1381], %swap3A_1384 {strides = array<i32>} : memref<8x128xf32, #tpu.memory_space<vmem>>, vector<1x16xf32>,
        %get3A_1385 = arith.constant 0 : i32
        %get3A_1386 = arith.index_cast %scan3A_18 : i32 to index
        %get3A_1387 = arith.index_cast %get3A_1385 : i32 to index
        %get3A_1388 = arith.constant 96 : index
        %get3A_1389 = tpu.vector_load %arg4[%get3A_1386, %get3A_1387, %get3A_1388] {strides = array<i32>} : memref<8x32x128xf32, #tpu.memory_space<vmem>>, vector<1x1x16xf32>,
        %get3A_1390 = vector.shape_cast %get3A_1389 : vector<1x1x16xf32> to vector<16xf32>
        %get3A_1391 = arith.constant 1 : i32
        %get3A_1392 = arith.index_cast %scan3A_18 : i32 to index
        %get3A_1393 = arith.index_cast %get3A_1391 : i32 to index
        %get3A_1394 = arith.constant 96 : index
        %get3A_1395 = tpu.vector_load %arg4[%get3A_1392, %get3A_1393, %get3A_1394] {strides = array<i32>} : memref<8x32x128xf32, #tpu.memory_space<vmem>>, vector<1x1x16xf32>,
        %get3A_1396 = vector.shape_cast %get3A_1395 : vector<1x1x16xf32> to vector<16xf32>
        %add3A_1397 = arith.addf %get3A_1390, %get3A_1396 : vector<16xf32>
        %get3A_1398 = arith.constant 2 : i32
        %get3A_1399 = arith.index_cast %scan3A_18 : i32 to index
        %get3A_1400 = arith.index_cast %get3A_1398 : i32 to index
        %get3A_1401 = arith.constant 96 : index
        %get3A_1402 = tpu.vector_load %arg4[%get3A_1399, %get3A_1400, %get3A_1401] {strides = array<i32>} : memref<8x32x128xf32, #tpu.memory_space<vmem>>, vector<1x1x16xf32>,
        %get3A_1403 = vector.shape_cast %get3A_1402 : vector<1x1x16xf32> to vector<16xf32>
        %add3A_1404 = arith.addf %add3A_1397, %get3A_1403 : vector<16xf32>
        %get3A_1405 = arith.constant 3 : i32
        %get3A_1406 = arith.index_cast %scan3A_18 : i32 to index
        %get3A_1407 = arith.index_cast %get3A_1405 : i32 to index
        %get3A_1408 = arith.constant 96 : index
        %get3A_1409 = tpu.vector_load %arg4[%get3A_1406, %get3A_1407, %get3A_1408] {strides = array<i32>} : memref<8x32x128xf32, #tpu.memory_space<vmem>>, vector<1x1x16xf32>,
        %get3A_1410 = vector.shape_cast %get3A_1409 : vector<1x1x16xf32> to vector<16xf32>
        %add3A_1411 = arith.addf %add3A_1404, %get3A_1410 : vector<16xf32>
        %get3A_1412 = arith.constant 4 : i32
        %get3A_1413 = arith.index_cast %scan3A_18 : i32 to index
        %get3A_1414 = arith.index_cast %get3A_1412 : i32 to index
        %get3A_1415 = arith.constant 96 : index
        %get3A_1416 = tpu.vector_load %arg4[%get3A_1413, %get3A_1414, %get3A_1415] {strides = array<i32>} : memref<8x32x128xf32, #tpu.memory_space<vmem>>, vector<1x1x16xf32>,
        %get3A_1417 = vector.shape_cast %get3A_1416 : vector<1x1x16xf32> to vector<16xf32>
        %add3A_1418 = arith.addf %add3A_1411, %get3A_1417 : vector<16xf32>
        %get3A_1419 = arith.constant 5 : i32
        %get3A_1420 = arith.index_cast %scan3A_18 : i32 to index
        %get3A_1421 = arith.index_cast %get3A_1419 : i32 to index
        %get3A_1422 = arith.constant 96 : index
        %get3A_1423 = tpu.vector_load %arg4[%get3A_1420, %get3A_1421, %get3A_1422] {strides = array<i32>} : memref<8x32x128xf32, #tpu.memory_space<vmem>>, vector<1x1x16xf32>,
        %get3A_1424 = vector.shape_cast %get3A_1423 : vector<1x1x16xf32> to vector<16xf32>
        %add3A_1425 = arith.addf %add3A_1418, %get3A_1424 : vector<16xf32>
        %get3A_1426 = arith.constant 6 : i32
        %get3A_1427 = arith.index_cast %scan3A_18 : i32 to index
        %get3A_1428 = arith.index_cast %get3A_1426 : i32 to index
        %get3A_1429 = arith.constant 96 : index
        %get3A_1430 = tpu.vector_load %arg4[%get3A_1427, %get3A_1428, %get3A_1429] {strides = array<i32>} : memref<8x32x128xf32, #tpu.memory_space<vmem>>, vector<1x1x16xf32>,
        %get3A_1431 = vector.shape_cast %get3A_1430 : vector<1x1x16xf32> to vector<16xf32>
        %add3A_1432 = arith.addf %add3A_1425, %get3A_1431 : vector<16xf32>
        %get3A_1433 = arith.constant 7 : i32
        %get3A_1434 = arith.index_cast %scan3A_18 : i32 to index
        %get3A_1435 = arith.index_cast %get3A_1433 : i32 to index
        %get3A_1436 = arith.constant 96 : index
        %get3A_1437 = tpu.vector_load %arg4[%get3A_1434, %get3A_1435, %get3A_1436] {strides = array<i32>} : memref<8x32x128xf32, #tpu.memory_space<vmem>>, vector<1x1x16xf32>,
        %get3A_1438 = vector.shape_cast %get3A_1437 : vector<1x1x16xf32> to vector<16xf32>
        %add3A_1439 = arith.addf %add3A_1432, %get3A_1438 : vector<16xf32>
        %get3A_1440 = arith.constant 8 : i32
        %get3A_1441 = arith.index_cast %scan3A_18 : i32 to index
        %get3A_1442 = arith.index_cast %get3A_1440 : i32 to index
        %get3A_1443 = arith.constant 96 : index
        %get3A_1444 = tpu.vector_load %arg4[%get3A_1441, %get3A_1442, %get3A_1443] {strides = array<i32>} : memref<8x32x128xf32, #tpu.memory_space<vmem>>, vector<1x1x16xf32>,
        %get3A_1445 = vector.shape_cast %get3A_1444 : vector<1x1x16xf32> to vector<16xf32>
        %add3A_1446 = arith.addf %add3A_1439, %get3A_1445 : vector<16xf32>
        %get3A_1447 = arith.constant 9 : i32
        %get3A_1448 = arith.index_cast %scan3A_18 : i32 to index
        %get3A_1449 = arith.index_cast %get3A_1447 : i32 to index
        %get3A_1450 = arith.constant 96 : index
        %get3A_1451 = tpu.vector_load %arg4[%get3A_1448, %get3A_1449, %get3A_1450] {strides = array<i32>} : memref<8x32x128xf32, #tpu.memory_space<vmem>>, vector<1x1x16xf32>,
        %get3A_1452 = vector.shape_cast %get3A_1451 : vector<1x1x16xf32> to vector<16xf32>
        %add3A_1453 = arith.addf %add3A_1446, %get3A_1452 : vector<16xf32>
        %get3A_1454 = arith.constant 10 : i32
        %get3A_1455 = arith.index_cast %scan3A_18 : i32 to index
        %get3A_1456 = arith.index_cast %get3A_1454 : i32 to index
        %get3A_1457 = arith.constant 96 : index
        %get3A_1458 = tpu.vector_load %arg4[%get3A_1455, %get3A_1456, %get3A_1457] {strides = array<i32>} : memref<8x32x128xf32, #tpu.memory_space<vmem>>, vector<1x1x16xf32>,
        %get3A_1459 = vector.shape_cast %get3A_1458 : vector<1x1x16xf32> to vector<16xf32>
        %add3A_1460 = arith.addf %add3A_1453, %get3A_1459 : vector<16xf32>
        %get3A_1461 = arith.constant 11 : i32
        %get3A_1462 = arith.index_cast %scan3A_18 : i32 to index
        %get3A_1463 = arith.index_cast %get3A_1461 : i32 to index
        %get3A_1464 = arith.constant 96 : index
        %get3A_1465 = tpu.vector_load %arg4[%get3A_1462, %get3A_1463, %get3A_1464] {strides = array<i32>} : memref<8x32x128xf32, #tpu.memory_space<vmem>>, vector<1x1x16xf32>,
        %get3A_1466 = vector.shape_cast %get3A_1465 : vector<1x1x16xf32> to vector<16xf32>
        %add3A_1467 = arith.addf %add3A_1460, %get3A_1466 : vector<16xf32>
        %get3A_1468 = arith.constant 12 : i32
        %get3A_1469 = arith.index_cast %scan3A_18 : i32 to index
        %get3A_1470 = arith.index_cast %get3A_1468 : i32 to index
        %get3A_1471 = arith.constant 96 : index
        %get3A_1472 = tpu.vector_load %arg4[%get3A_1469, %get3A_1470, %get3A_1471] {strides = array<i32>} : memref<8x32x128xf32, #tpu.memory_space<vmem>>, vector<1x1x16xf32>,
        %get3A_1473 = vector.shape_cast %get3A_1472 : vector<1x1x16xf32> to vector<16xf32>
        %add3A_1474 = arith.addf %add3A_1467, %get3A_1473 : vector<16xf32>
        %get3A_1475 = arith.constant 13 : i32
        %get3A_1476 = arith.index_cast %scan3A_18 : i32 to index
        %get3A_1477 = arith.index_cast %get3A_1475 : i32 to index
        %get3A_1478 = arith.constant 96 : index
        %get3A_1479 = tpu.vector_load %arg4[%get3A_1476, %get3A_1477, %get3A_1478] {strides = array<i32>} : memref<8x32x128xf32, #tpu.memory_space<vmem>>, vector<1x1x16xf32>,
        %get3A_1480 = vector.shape_cast %get3A_1479 : vector<1x1x16xf32> to vector<16xf32>
        %add3A_1481 = arith.addf %add3A_1474, %get3A_1480 : vector<16xf32>
        %get3A_1482 = arith.constant 14 : i32
        %get3A_1483 = arith.index_cast %scan3A_18 : i32 to index
        %get3A_1484 = arith.index_cast %get3A_1482 : i32 to index
        %get3A_1485 = arith.constant 96 : index
        %get3A_1486 = tpu.vector_load %arg4[%get3A_1483, %get3A_1484, %get3A_1485] {strides = array<i32>} : memref<8x32x128xf32, #tpu.memory_space<vmem>>, vector<1x1x16xf32>,
        %get3A_1487 = vector.shape_cast %get3A_1486 : vector<1x1x16xf32> to vector<16xf32>
        %add3A_1488 = arith.addf %add3A_1481, %get3A_1487 : vector<16xf32>
        %get3A_1489 = arith.constant 15 : i32
        %get3A_1490 = arith.index_cast %scan3A_18 : i32 to index
        %get3A_1491 = arith.index_cast %get3A_1489 : i32 to index
        %get3A_1492 = arith.constant 96 : index
        %get3A_1493 = tpu.vector_load %arg4[%get3A_1490, %get3A_1491, %get3A_1492] {strides = array<i32>} : memref<8x32x128xf32, #tpu.memory_space<vmem>>, vector<1x1x16xf32>,
        %get3A_1494 = vector.shape_cast %get3A_1493 : vector<1x1x16xf32> to vector<16xf32>
        %add3A_1495 = arith.addf %add3A_1488, %get3A_1494 : vector<16xf32>
        %get3A_1496 = arith.constant 16 : i32
        %get3A_1497 = arith.index_cast %scan3A_18 : i32 to index
        %get3A_1498 = arith.index_cast %get3A_1496 : i32 to index
        %get3A_1499 = arith.constant 96 : index
        %get3A_1500 = tpu.vector_load %arg4[%get3A_1497, %get3A_1498, %get3A_1499] {strides = array<i32>} : memref<8x32x128xf32, #tpu.memory_space<vmem>>, vector<1x1x16xf32>,
        %get3A_1501 = vector.shape_cast %get3A_1500 : vector<1x1x16xf32> to vector<16xf32>
        %add3A_1502 = arith.addf %add3A_1495, %get3A_1501 : vector<16xf32>
        %get3A_1503 = arith.constant 17 : i32
        %get3A_1504 = arith.index_cast %scan3A_18 : i32 to index
        %get3A_1505 = arith.index_cast %get3A_1503 : i32 to index
        %get3A_1506 = arith.constant 96 : index
        %get3A_1507 = tpu.vector_load %arg4[%get3A_1504, %get3A_1505, %get3A_1506] {strides = array<i32>} : memref<8x32x128xf32, #tpu.memory_space<vmem>>, vector<1x1x16xf32>,
        %get3A_1508 = vector.shape_cast %get3A_1507 : vector<1x1x16xf32> to vector<16xf32>
        %add3A_1509 = arith.addf %add3A_1502, %get3A_1508 : vector<16xf32>
        %get3A_1510 = arith.constant 18 : i32
        %get3A_1511 = arith.index_cast %scan3A_18 : i32 to index
        %get3A_1512 = arith.index_cast %get3A_1510 : i32 to index
        %get3A_1513 = arith.constant 96 : index
        %get3A_1514 = tpu.vector_load %arg4[%get3A_1511, %get3A_1512, %get3A_1513] {strides = array<i32>} : memref<8x32x128xf32, #tpu.memory_space<vmem>>, vector<1x1x16xf32>,
        %get3A_1515 = vector.shape_cast %get3A_1514 : vector<1x1x16xf32> to vector<16xf32>
        %add3A_1516 = arith.addf %add3A_1509, %get3A_1515 : vector<16xf32>
        %get3A_1517 = arith.constant 19 : i32
        %get3A_1518 = arith.index_cast %scan3A_18 : i32 to index
        %get3A_1519 = arith.index_cast %get3A_1517 : i32 to index
        %get3A_1520 = arith.constant 96 : index
        %get3A_1521 = tpu.vector_load %arg4[%get3A_1518, %get3A_1519, %get3A_1520] {strides = array<i32>} : memref<8x32x128xf32, #tpu.memory_space<vmem>>, vector<1x1x16xf32>,
        %get3A_1522 = vector.shape_cast %get3A_1521 : vector<1x1x16xf32> to vector<16xf32>
        %add3A_1523 = arith.addf %add3A_1516, %get3A_1522 : vector<16xf32>
        %get3A_1524 = arith.constant 20 : i32
        %get3A_1525 = arith.index_cast %scan3A_18 : i32 to index
        %get3A_1526 = arith.index_cast %get3A_1524 : i32 to index
        %get3A_1527 = arith.constant 96 : index
        %get3A_1528 = tpu.vector_load %arg4[%get3A_1525, %get3A_1526, %get3A_1527] {strides = array<i32>} : memref<8x32x128xf32, #tpu.memory_space<vmem>>, vector<1x1x16xf32>,
        %get3A_1529 = vector.shape_cast %get3A_1528 : vector<1x1x16xf32> to vector<16xf32>
        %add3A_1530 = arith.addf %add3A_1523, %get3A_1529 : vector<16xf32>
        %get3A_1531 = arith.constant 21 : i32
        %get3A_1532 = arith.index_cast %scan3A_18 : i32 to index
        %get3A_1533 = arith.index_cast %get3A_1531 : i32 to index
        %get3A_1534 = arith.constant 96 : index
        %get3A_1535 = tpu.vector_load %arg4[%get3A_1532, %get3A_1533, %get3A_1534] {strides = array<i32>} : memref<8x32x128xf32, #tpu.memory_space<vmem>>, vector<1x1x16xf32>,
        %get3A_1536 = vector.shape_cast %get3A_1535 : vector<1x1x16xf32> to vector<16xf32>
        %add3A_1537 = arith.addf %add3A_1530, %get3A_1536 : vector<16xf32>
        %get3A_1538 = arith.constant 22 : i32
        %get3A_1539 = arith.index_cast %scan3A_18 : i32 to index
        %get3A_1540 = arith.index_cast %get3A_1538 : i32 to index
        %get3A_1541 = arith.constant 96 : index
        %get3A_1542 = tpu.vector_load %arg4[%get3A_1539, %get3A_1540, %get3A_1541] {strides = array<i32>} : memref<8x32x128xf32, #tpu.memory_space<vmem>>, vector<1x1x16xf32>,
        %get3A_1543 = vector.shape_cast %get3A_1542 : vector<1x1x16xf32> to vector<16xf32>
        %add3A_1544 = arith.addf %add3A_1537, %get3A_1543 : vector<16xf32>
        %get3A_1545 = arith.constant 23 : i32
        %get3A_1546 = arith.index_cast %scan3A_18 : i32 to index
        %get3A_1547 = arith.index_cast %get3A_1545 : i32 to index
        %get3A_1548 = arith.constant 96 : index
        %get3A_1549 = tpu.vector_load %arg4[%get3A_1546, %get3A_1547, %get3A_1548] {strides = array<i32>} : memref<8x32x128xf32, #tpu.memory_space<vmem>>, vector<1x1x16xf32>,
        %get3A_1550 = vector.shape_cast %get3A_1549 : vector<1x1x16xf32> to vector<16xf32>
        %add3A_1551 = arith.addf %add3A_1544, %get3A_1550 : vector<16xf32>
        %get3A_1552 = arith.constant 24 : i32
        %get3A_1553 = arith.index_cast %scan3A_18 : i32 to index
        %get3A_1554 = arith.index_cast %get3A_1552 : i32 to index
        %get3A_1555 = arith.constant 96 : index
        %get3A_1556 = tpu.vector_load %arg4[%get3A_1553, %get3A_1554, %get3A_1555] {strides = array<i32>} : memref<8x32x128xf32, #tpu.memory_space<vmem>>, vector<1x1x16xf32>,
        %get3A_1557 = vector.shape_cast %get3A_1556 : vector<1x1x16xf32> to vector<16xf32>
        %add3A_1558 = arith.addf %add3A_1551, %get3A_1557 : vector<16xf32>
        %get3A_1559 = arith.constant 25 : i32
        %get3A_1560 = arith.index_cast %scan3A_18 : i32 to index
        %get3A_1561 = arith.index_cast %get3A_1559 : i32 to index
        %get3A_1562 = arith.constant 96 : index
        %get3A_1563 = tpu.vector_load %arg4[%get3A_1560, %get3A_1561, %get3A_1562] {strides = array<i32>} : memref<8x32x128xf32, #tpu.memory_space<vmem>>, vector<1x1x16xf32>,
        %get3A_1564 = vector.shape_cast %get3A_1563 : vector<1x1x16xf32> to vector<16xf32>
        %add3A_1565 = arith.addf %add3A_1558, %get3A_1564 : vector<16xf32>
        %get3A_1566 = arith.constant 26 : i32
        %get3A_1567 = arith.index_cast %scan3A_18 : i32 to index
        %get3A_1568 = arith.index_cast %get3A_1566 : i32 to index
        %get3A_1569 = arith.constant 96 : index
        %get3A_1570 = tpu.vector_load %arg4[%get3A_1567, %get3A_1568, %get3A_1569] {strides = array<i32>} : memref<8x32x128xf32, #tpu.memory_space<vmem>>, vector<1x1x16xf32>,
        %get3A_1571 = vector.shape_cast %get3A_1570 : vector<1x1x16xf32> to vector<16xf32>
        %add3A_1572 = arith.addf %add3A_1565, %get3A_1571 : vector<16xf32>
        %get3A_1573 = arith.constant 27 : i32
        %get3A_1574 = arith.index_cast %scan3A_18 : i32 to index
        %get3A_1575 = arith.index_cast %get3A_1573 : i32 to index
        %get3A_1576 = arith.constant 96 : index
        %get3A_1577 = tpu.vector_load %arg4[%get3A_1574, %get3A_1575, %get3A_1576] {strides = array<i32>} : memref<8x32x128xf32, #tpu.memory_space<vmem>>, vector<1x1x16xf32>,
        %get3A_1578 = vector.shape_cast %get3A_1577 : vector<1x1x16xf32> to vector<16xf32>
        %add3A_1579 = arith.addf %add3A_1572, %get3A_1578 : vector<16xf32>
        %get3A_1580 = arith.constant 28 : i32
        %get3A_1581 = arith.index_cast %scan3A_18 : i32 to index
        %get3A_1582 = arith.index_cast %get3A_1580 : i32 to index
        %get3A_1583 = arith.constant 96 : index
        %get3A_1584 = tpu.vector_load %arg4[%get3A_1581, %get3A_1582, %get3A_1583] {strides = array<i32>} : memref<8x32x128xf32, #tpu.memory_space<vmem>>, vector<1x1x16xf32>,
        %get3A_1585 = vector.shape_cast %get3A_1584 : vector<1x1x16xf32> to vector<16xf32>
        %add3A_1586 = arith.addf %add3A_1579, %get3A_1585 : vector<16xf32>
        %get3A_1587 = arith.constant 29 : i32
        %get3A_1588 = arith.index_cast %scan3A_18 : i32 to index
        %get3A_1589 = arith.index_cast %get3A_1587 : i32 to index
        %get3A_1590 = arith.constant 96 : index
        %get3A_1591 = tpu.vector_load %arg4[%get3A_1588, %get3A_1589, %get3A_1590] {strides = array<i32>} : memref<8x32x128xf32, #tpu.memory_space<vmem>>, vector<1x1x16xf32>,
        %get3A_1592 = vector.shape_cast %get3A_1591 : vector<1x1x16xf32> to vector<16xf32>
        %add3A_1593 = arith.addf %add3A_1586, %get3A_1592 : vector<16xf32>
        %get3A_1594 = arith.constant 30 : i32
        %get3A_1595 = arith.index_cast %scan3A_18 : i32 to index
        %get3A_1596 = arith.index_cast %get3A_1594 : i32 to index
        %get3A_1597 = arith.constant 96 : index
        %get3A_1598 = tpu.vector_load %arg4[%get3A_1595, %get3A_1596, %get3A_1597] {strides = array<i32>} : memref<8x32x128xf32, #tpu.memory_space<vmem>>, vector<1x1x16xf32>,
        %get3A_1599 = vector.shape_cast %get3A_1598 : vector<1x1x16xf32> to vector<16xf32>
        %add3A_1600 = arith.addf %add3A_1593, %get3A_1599 : vector<16xf32>
        %get3A_1601 = arith.constant 31 : i32
        %get3A_1602 = arith.index_cast %scan3A_18 : i32 to index
        %get3A_1603 = arith.index_cast %get3A_1601 : i32 to index
        %get3A_1604 = arith.constant 96 : index
        %get3A_1605 = tpu.vector_load %arg4[%get3A_1602, %get3A_1603, %get3A_1604] {strides = array<i32>} : memref<8x32x128xf32, #tpu.memory_space<vmem>>, vector<1x1x16xf32>,
        %get3A_1606 = vector.shape_cast %get3A_1605 : vector<1x1x16xf32> to vector<16xf32>
        %add3A_1607 = arith.addf %add3A_1600, %get3A_1606 : vector<16xf32>
        %swap3A_1608 = arith.index_cast %scan3A_18 : i32 to index
        %swap3A_1609 = arith.constant 96 : index
        %swap3A_1610 = tpu.vector_load %arg5[%swap3A_1608, %swap3A_1609] {strides = array<i32>} : memref<8x128xf32, #tpu.memory_space<vmem>>, vector<1x16xf32>,
        %swap3A_1611 = vector.shape_cast %swap3A_1610 : vector<1x16xf32> to vector<16xf32>
        %swap3A_1612 = vector.shape_cast %add3A_1607 : vector<16xf32> to vector<1x16xf32>
        tpu.vector_store %arg5[%swap3A_1608, %swap3A_1609], %swap3A_1612 {strides = array<i32>} : memref<8x128xf32, #tpu.memory_space<vmem>>, vector<1x16xf32>,
        %get3A_1613 = arith.constant 0 : i32
        %get3A_1614 = arith.index_cast %scan3A_18 : i32 to index
        %get3A_1615 = arith.index_cast %get3A_1613 : i32 to index
        %get3A_1616 = arith.constant 112 : index
        %get3A_1617 = tpu.vector_load %arg4[%get3A_1614, %get3A_1615, %get3A_1616] {strides = array<i32>} : memref<8x32x128xf32, #tpu.memory_space<vmem>>, vector<1x1x16xf32>,
        %get3A_1618 = vector.shape_cast %get3A_1617 : vector<1x1x16xf32> to vector<16xf32>
        %get3A_1619 = arith.constant 1 : i32
        %get3A_1620 = arith.index_cast %scan3A_18 : i32 to index
        %get3A_1621 = arith.index_cast %get3A_1619 : i32 to index
        %get3A_1622 = arith.constant 112 : index
        %get3A_1623 = tpu.vector_load %arg4[%get3A_1620, %get3A_1621, %get3A_1622] {strides = array<i32>} : memref<8x32x128xf32, #tpu.memory_space<vmem>>, vector<1x1x16xf32>,
        %get3A_1624 = vector.shape_cast %get3A_1623 : vector<1x1x16xf32> to vector<16xf32>
        %add3A_1625 = arith.addf %get3A_1618, %get3A_1624 : vector<16xf32>
        %get3A_1626 = arith.constant 2 : i32
        %get3A_1627 = arith.index_cast %scan3A_18 : i32 to index
        %get3A_1628 = arith.index_cast %get3A_1626 : i32 to index
        %get3A_1629 = arith.constant 112 : index
        %get3A_1630 = tpu.vector_load %arg4[%get3A_1627, %get3A_1628, %get3A_1629] {strides = array<i32>} : memref<8x32x128xf32, #tpu.memory_space<vmem>>, vector<1x1x16xf32>,
        %get3A_1631 = vector.shape_cast %get3A_1630 : vector<1x1x16xf32> to vector<16xf32>
        %add3A_1632 = arith.addf %add3A_1625, %get3A_1631 : vector<16xf32>
        %get3A_1633 = arith.constant 3 : i32
        %get3A_1634 = arith.index_cast %scan3A_18 : i32 to index
        %get3A_1635 = arith.index_cast %get3A_1633 : i32 to index
        %get3A_1636 = arith.constant 112 : index
        %get3A_1637 = tpu.vector_load %arg4[%get3A_1634, %get3A_1635, %get3A_1636] {strides = array<i32>} : memref<8x32x128xf32, #tpu.memory_space<vmem>>, vector<1x1x16xf32>,
        %get3A_1638 = vector.shape_cast %get3A_1637 : vector<1x1x16xf32> to vector<16xf32>
        %add3A_1639 = arith.addf %add3A_1632, %get3A_1638 : vector<16xf32>
        %get3A_1640 = arith.constant 4 : i32
        %get3A_1641 = arith.index_cast %scan3A_18 : i32 to index
        %get3A_1642 = arith.index_cast %get3A_1640 : i32 to index
        %get3A_1643 = arith.constant 112 : index
        %get3A_1644 = tpu.vector_load %arg4[%get3A_1641, %get3A_1642, %get3A_1643] {strides = array<i32>} : memref<8x32x128xf32, #tpu.memory_space<vmem>>, vector<1x1x16xf32>,
        %get3A_1645 = vector.shape_cast %get3A_1644 : vector<1x1x16xf32> to vector<16xf32>
        %add3A_1646 = arith.addf %add3A_1639, %get3A_1645 : vector<16xf32>
        %get3A_1647 = arith.constant 5 : i32
        %get3A_1648 = arith.index_cast %scan3A_18 : i32 to index
        %get3A_1649 = arith.index_cast %get3A_1647 : i32 to index
        %get3A_1650 = arith.constant 112 : index
        %get3A_1651 = tpu.vector_load %arg4[%get3A_1648, %get3A_1649, %get3A_1650] {strides = array<i32>} : memref<8x32x128xf32, #tpu.memory_space<vmem>>, vector<1x1x16xf32>,
        %get3A_1652 = vector.shape_cast %get3A_1651 : vector<1x1x16xf32> to vector<16xf32>
        %add3A_1653 = arith.addf %add3A_1646, %get3A_1652 : vector<16xf32>
        %get3A_1654 = arith.constant 6 : i32
        %get3A_1655 = arith.index_cast %scan3A_18 : i32 to index
        %get3A_1656 = arith.index_cast %get3A_1654 : i32 to index
        %get3A_1657 = arith.constant 112 : index
        %get3A_1658 = tpu.vector_load %arg4[%get3A_1655, %get3A_1656, %get3A_1657] {strides = array<i32>} : memref<8x32x128xf32, #tpu.memory_space<vmem>>, vector<1x1x16xf32>,
        %get3A_1659 = vector.shape_cast %get3A_1658 : vector<1x1x16xf32> to vector<16xf32>
        %add3A_1660 = arith.addf %add3A_1653, %get3A_1659 : vector<16xf32>
        %get3A_1661 = arith.constant 7 : i32
        %get3A_1662 = arith.index_cast %scan3A_18 : i32 to index
        %get3A_1663 = arith.index_cast %get3A_1661 : i32 to index
        %get3A_1664 = arith.constant 112 : index
        %get3A_1665 = tpu.vector_load %arg4[%get3A_1662, %get3A_1663, %get3A_1664] {strides = array<i32>} : memref<8x32x128xf32, #tpu.memory_space<vmem>>, vector<1x1x16xf32>,
        %get3A_1666 = vector.shape_cast %get3A_1665 : vector<1x1x16xf32> to vector<16xf32>
        %add3A_1667 = arith.addf %add3A_1660, %get3A_1666 : vector<16xf32>
        %get3A_1668 = arith.constant 8 : i32
        %get3A_1669 = arith.index_cast %scan3A_18 : i32 to index
        %get3A_1670 = arith.index_cast %get3A_1668 : i32 to index
        %get3A_1671 = arith.constant 112 : index
        %get3A_1672 = tpu.vector_load %arg4[%get3A_1669, %get3A_1670, %get3A_1671] {strides = array<i32>} : memref<8x32x128xf32, #tpu.memory_space<vmem>>, vector<1x1x16xf32>,
        %get3A_1673 = vector.shape_cast %get3A_1672 : vector<1x1x16xf32> to vector<16xf32>
        %add3A_1674 = arith.addf %add3A_1667, %get3A_1673 : vector<16xf32>
        %get3A_1675 = arith.constant 9 : i32
        %get3A_1676 = arith.index_cast %scan3A_18 : i32 to index
        %get3A_1677 = arith.index_cast %get3A_1675 : i32 to index
        %get3A_1678 = arith.constant 112 : index
        %get3A_1679 = tpu.vector_load %arg4[%get3A_1676, %get3A_1677, %get3A_1678] {strides = array<i32>} : memref<8x32x128xf32, #tpu.memory_space<vmem>>, vector<1x1x16xf32>,
        %get3A_1680 = vector.shape_cast %get3A_1679 : vector<1x1x16xf32> to vector<16xf32>
        %add3A_1681 = arith.addf %add3A_1674, %get3A_1680 : vector<16xf32>
        %get3A_1682 = arith.constant 10 : i32
        %get3A_1683 = arith.index_cast %scan3A_18 : i32 to index
        %get3A_1684 = arith.index_cast %get3A_1682 : i32 to index
        %get3A_1685 = arith.constant 112 : index
        %get3A_1686 = tpu.vector_load %arg4[%get3A_1683, %get3A_1684, %get3A_1685] {strides = array<i32>} : memref<8x32x128xf32, #tpu.memory_space<vmem>>, vector<1x1x16xf32>,
        %get3A_1687 = vector.shape_cast %get3A_1686 : vector<1x1x16xf32> to vector<16xf32>
        %add3A_1688 = arith.addf %add3A_1681, %get3A_1687 : vector<16xf32>
        %get3A_1689 = arith.constant 11 : i32
        %get3A_1690 = arith.index_cast %scan3A_18 : i32 to index
        %get3A_1691 = arith.index_cast %get3A_1689 : i32 to index
        %get3A_1692 = arith.constant 112 : index
        %get3A_1693 = tpu.vector_load %arg4[%get3A_1690, %get3A_1691, %get3A_1692] {strides = array<i32>} : memref<8x32x128xf32, #tpu.memory_space<vmem>>, vector<1x1x16xf32>,
        %get3A_1694 = vector.shape_cast %get3A_1693 : vector<1x1x16xf32> to vector<16xf32>
        %add3A_1695 = arith.addf %add3A_1688, %get3A_1694 : vector<16xf32>
        %get3A_1696 = arith.constant 12 : i32
        %get3A_1697 = arith.index_cast %scan3A_18 : i32 to index
        %get3A_1698 = arith.index_cast %get3A_1696 : i32 to index
        %get3A_1699 = arith.constant 112 : index
        %get3A_1700 = tpu.vector_load %arg4[%get3A_1697, %get3A_1698, %get3A_1699] {strides = array<i32>} : memref<8x32x128xf32, #tpu.memory_space<vmem>>, vector<1x1x16xf32>,
        %get3A_1701 = vector.shape_cast %get3A_1700 : vector<1x1x16xf32> to vector<16xf32>
        %add3A_1702 = arith.addf %add3A_1695, %get3A_1701 : vector<16xf32>
        %get3A_1703 = arith.constant 13 : i32
        %get3A_1704 = arith.index_cast %scan3A_18 : i32 to index
        %get3A_1705 = arith.index_cast %get3A_1703 : i32 to index
        %get3A_1706 = arith.constant 112 : index
        %get3A_1707 = tpu.vector_load %arg4[%get3A_1704, %get3A_1705, %get3A_1706] {strides = array<i32>} : memref<8x32x128xf32, #tpu.memory_space<vmem>>, vector<1x1x16xf32>,
        %get3A_1708 = vector.shape_cast %get3A_1707 : vector<1x1x16xf32> to vector<16xf32>
        %add3A_1709 = arith.addf %add3A_1702, %get3A_1708 : vector<16xf32>
        %get3A_1710 = arith.constant 14 : i32
        %get3A_1711 = arith.index_cast %scan3A_18 : i32 to index
        %get3A_1712 = arith.index_cast %get3A_1710 : i32 to index
        %get3A_1713 = arith.constant 112 : index
        %get3A_1714 = tpu.vector_load %arg4[%get3A_1711, %get3A_1712, %get3A_1713] {strides = array<i32>} : memref<8x32x128xf32, #tpu.memory_space<vmem>>, vector<1x1x16xf32>,
        %get3A_1715 = vector.shape_cast %get3A_1714 : vector<1x1x16xf32> to vector<16xf32>
        %add3A_1716 = arith.addf %add3A_1709, %get3A_1715 : vector<16xf32>
        %get3A_1717 = arith.constant 15 : i32
        %get3A_1718 = arith.index_cast %scan3A_18 : i32 to index
        %get3A_1719 = arith.index_cast %get3A_1717 : i32 to index
        %get3A_1720 = arith.constant 112 : index
        %get3A_1721 = tpu.vector_load %arg4[%get3A_1718, %get3A_1719, %get3A_1720] {strides = array<i32>} : memref<8x32x128xf32, #tpu.memory_space<vmem>>, vector<1x1x16xf32>,
        %get3A_1722 = vector.shape_cast %get3A_1721 : vector<1x1x16xf32> to vector<16xf32>
        %add3A_1723 = arith.addf %add3A_1716, %get3A_1722 : vector<16xf32>
        %get3A_1724 = arith.constant 16 : i32
        %get3A_1725 = arith.index_cast %scan3A_18 : i32 to index
        %get3A_1726 = arith.index_cast %get3A_1724 : i32 to index
        %get3A_1727 = arith.constant 112 : index
        %get3A_1728 = tpu.vector_load %arg4[%get3A_1725, %get3A_1726, %get3A_1727] {strides = array<i32>} : memref<8x32x128xf32, #tpu.memory_space<vmem>>, vector<1x1x16xf32>,
        %get3A_1729 = vector.shape_cast %get3A_1728 : vector<1x1x16xf32> to vector<16xf32>
        %add3A_1730 = arith.addf %add3A_1723, %get3A_1729 : vector<16xf32>
        %get3A_1731 = arith.constant 17 : i32
        %get3A_1732 = arith.index_cast %scan3A_18 : i32 to index
        %get3A_1733 = arith.index_cast %get3A_1731 : i32 to index
        %get3A_1734 = arith.constant 112 : index
        %get3A_1735 = tpu.vector_load %arg4[%get3A_1732, %get3A_1733, %get3A_1734] {strides = array<i32>} : memref<8x32x128xf32, #tpu.memory_space<vmem>>, vector<1x1x16xf32>,
        %get3A_1736 = vector.shape_cast %get3A_1735 : vector<1x1x16xf32> to vector<16xf32>
        %add3A_1737 = arith.addf %add3A_1730, %get3A_1736 : vector<16xf32>
        %get3A_1738 = arith.constant 18 : i32
        %get3A_1739 = arith.index_cast %scan3A_18 : i32 to index
        %get3A_1740 = arith.index_cast %get3A_1738 : i32 to index
        %get3A_1741 = arith.constant 112 : index
        %get3A_1742 = tpu.vector_load %arg4[%get3A_1739, %get3A_1740, %get3A_1741] {strides = array<i32>} : memref<8x32x128xf32, #tpu.memory_space<vmem>>, vector<1x1x16xf32>,
        %get3A_1743 = vector.shape_cast %get3A_1742 : vector<1x1x16xf32> to vector<16xf32>
        %add3A_1744 = arith.addf %add3A_1737, %get3A_1743 : vector<16xf32>
        %get3A_1745 = arith.constant 19 : i32
        %get3A_1746 = arith.index_cast %scan3A_18 : i32 to index
        %get3A_1747 = arith.index_cast %get3A_1745 : i32 to index
        %get3A_1748 = arith.constant 112 : index
        %get3A_1749 = tpu.vector_load %arg4[%get3A_1746, %get3A_1747, %get3A_1748] {strides = array<i32>} : memref<8x32x128xf32, #tpu.memory_space<vmem>>, vector<1x1x16xf32>,
        %get3A_1750 = vector.shape_cast %get3A_1749 : vector<1x1x16xf32> to vector<16xf32>
        %add3A_1751 = arith.addf %add3A_1744, %get3A_1750 : vector<16xf32>
        %get3A_1752 = arith.constant 20 : i32
        %get3A_1753 = arith.index_cast %scan3A_18 : i32 to index
        %get3A_1754 = arith.index_cast %get3A_1752 : i32 to index
        %get3A_1755 = arith.constant 112 : index
        %get3A_1756 = tpu.vector_load %arg4[%get3A_1753, %get3A_1754, %get3A_1755] {strides = array<i32>} : memref<8x32x128xf32, #tpu.memory_space<vmem>>, vector<1x1x16xf32>,
        %get3A_1757 = vector.shape_cast %get3A_1756 : vector<1x1x16xf32> to vector<16xf32>
        %add3A_1758 = arith.addf %add3A_1751, %get3A_1757 : vector<16xf32>
        %get3A_1759 = arith.constant 21 : i32
        %get3A_1760 = arith.index_cast %scan3A_18 : i32 to index
        %get3A_1761 = arith.index_cast %get3A_1759 : i32 to index
        %get3A_1762 = arith.constant 112 : index
        %get3A_1763 = tpu.vector_load %arg4[%get3A_1760, %get3A_1761, %get3A_1762] {strides = array<i32>} : memref<8x32x128xf32, #tpu.memory_space<vmem>>, vector<1x1x16xf32>,
        %get3A_1764 = vector.shape_cast %get3A_1763 : vector<1x1x16xf32> to vector<16xf32>
        %add3A_1765 = arith.addf %add3A_1758, %get3A_1764 : vector<16xf32>
        %get3A_1766 = arith.constant 22 : i32
        %get3A_1767 = arith.index_cast %scan3A_18 : i32 to index
        %get3A_1768 = arith.index_cast %get3A_1766 : i32 to index
        %get3A_1769 = arith.constant 112 : index
        %get3A_1770 = tpu.vector_load %arg4[%get3A_1767, %get3A_1768, %get3A_1769] {strides = array<i32>} : memref<8x32x128xf32, #tpu.memory_space<vmem>>, vector<1x1x16xf32>,
        %get3A_1771 = vector.shape_cast %get3A_1770 : vector<1x1x16xf32> to vector<16xf32>
        %add3A_1772 = arith.addf %add3A_1765, %get3A_1771 : vector<16xf32>
        %get3A_1773 = arith.constant 23 : i32
        %get3A_1774 = arith.index_cast %scan3A_18 : i32 to index
        %get3A_1775 = arith.index_cast %get3A_1773 : i32 to index
        %get3A_1776 = arith.constant 112 : index
        %get3A_1777 = tpu.vector_load %arg4[%get3A_1774, %get3A_1775, %get3A_1776] {strides = array<i32>} : memref<8x32x128xf32, #tpu.memory_space<vmem>>, vector<1x1x16xf32>,
        %get3A_1778 = vector.shape_cast %get3A_1777 : vector<1x1x16xf32> to vector<16xf32>
        %add3A_1779 = arith.addf %add3A_1772, %get3A_1778 : vector<16xf32>
        %get3A_1780 = arith.constant 24 : i32
        %get3A_1781 = arith.index_cast %scan3A_18 : i32 to index
        %get3A_1782 = arith.index_cast %get3A_1780 : i32 to index
        %get3A_1783 = arith.constant 112 : index
        %get3A_1784 = tpu.vector_load %arg4[%get3A_1781, %get3A_1782, %get3A_1783] {strides = array<i32>} : memref<8x32x128xf32, #tpu.memory_space<vmem>>, vector<1x1x16xf32>,
        %get3A_1785 = vector.shape_cast %get3A_1784 : vector<1x1x16xf32> to vector<16xf32>
        %add3A_1786 = arith.addf %add3A_1779, %get3A_1785 : vector<16xf32>
        %get3A_1787 = arith.constant 25 : i32
        %get3A_1788 = arith.index_cast %scan3A_18 : i32 to index
        %get3A_1789 = arith.index_cast %get3A_1787 : i32 to index
        %get3A_1790 = arith.constant 112 : index
        %get3A_1791 = tpu.vector_load %arg4[%get3A_1788, %get3A_1789, %get3A_1790] {strides = array<i32>} : memref<8x32x128xf32, #tpu.memory_space<vmem>>, vector<1x1x16xf32>,
        %get3A_1792 = vector.shape_cast %get3A_1791 : vector<1x1x16xf32> to vector<16xf32>
        %add3A_1793 = arith.addf %add3A_1786, %get3A_1792 : vector<16xf32>
        %get3A_1794 = arith.constant 26 : i32
        %get3A_1795 = arith.index_cast %scan3A_18 : i32 to index
        %get3A_1796 = arith.index_cast %get3A_1794 : i32 to index
        %get3A_1797 = arith.constant 112 : index
        %get3A_1798 = tpu.vector_load %arg4[%get3A_1795, %get3A_1796, %get3A_1797] {strides = array<i32>} : memref<8x32x128xf32, #tpu.memory_space<vmem>>, vector<1x1x16xf32>,
        %get3A_1799 = vector.shape_cast %get3A_1798 : vector<1x1x16xf32> to vector<16xf32>
        %add3A_1800 = arith.addf %add3A_1793, %get3A_1799 : vector<16xf32>
        %get3A_1801 = arith.constant 27 : i32
        %get3A_1802 = arith.index_cast %scan3A_18 : i32 to index
        %get3A_1803 = arith.index_cast %get3A_1801 : i32 to index
        %get3A_1804 = arith.constant 112 : index
        %get3A_1805 = tpu.vector_load %arg4[%get3A_1802, %get3A_1803, %get3A_1804] {strides = array<i32>} : memref<8x32x128xf32, #tpu.memory_space<vmem>>, vector<1x1x16xf32>,
        %get3A_1806 = vector.shape_cast %get3A_1805 : vector<1x1x16xf32> to vector<16xf32>
        %add3A_1807 = arith.addf %add3A_1800, %get3A_1806 : vector<16xf32>
        %get3A_1808 = arith.constant 28 : i32
        %get3A_1809 = arith.index_cast %scan3A_18 : i32 to index
        %get3A_1810 = arith.index_cast %get3A_1808 : i32 to index
        %get3A_1811 = arith.constant 112 : index
        %get3A_1812 = tpu.vector_load %arg4[%get3A_1809, %get3A_1810, %get3A_1811] {strides = array<i32>} : memref<8x32x128xf32, #tpu.memory_space<vmem>>, vector<1x1x16xf32>,
        %get3A_1813 = vector.shape_cast %get3A_1812 : vector<1x1x16xf32> to vector<16xf32>
        %add3A_1814 = arith.addf %add3A_1807, %get3A_1813 : vector<16xf32>
        %get3A_1815 = arith.constant 29 : i32
        %get3A_1816 = arith.index_cast %scan3A_18 : i32 to index
        %get3A_1817 = arith.index_cast %get3A_1815 : i32 to index
        %get3A_1818 = arith.constant 112 : index
        %get3A_1819 = tpu.vector_load %arg4[%get3A_1816, %get3A_1817, %get3A_1818] {strides = array<i32>} : memref<8x32x128xf32, #tpu.memory_space<vmem>>, vector<1x1x16xf32>,
        %get3A_1820 = vector.shape_cast %get3A_1819 : vector<1x1x16xf32> to vector<16xf32>
        %add3A_1821 = arith.addf %add3A_1814, %get3A_1820 : vector<16xf32>
        %get3A_1822 = arith.constant 30 : i32
        %get3A_1823 = arith.index_cast %scan3A_18 : i32 to index
        %get3A_1824 = arith.index_cast %get3A_1822 : i32 to index
        %get3A_1825 = arith.constant 112 : index
        %get3A_1826 = tpu.vector_load %arg4[%get3A_1823, %get3A_1824, %get3A_1825] {strides = array<i32>} : memref<8x32x128xf32, #tpu.memory_space<vmem>>, vector<1x1x16xf32>,
        %get3A_1827 = vector.shape_cast %get3A_1826 : vector<1x1x16xf32> to vector<16xf32>
        %add3A_1828 = arith.addf %add3A_1821, %get3A_1827 : vector<16xf32>
        %get3A_1829 = arith.constant 31 : i32
        %get3A_1830 = arith.index_cast %scan3A_18 : i32 to index
        %get3A_1831 = arith.index_cast %get3A_1829 : i32 to index
        %get3A_1832 = arith.constant 112 : index
        %get3A_1833 = tpu.vector_load %arg4[%get3A_1830, %get3A_1831, %get3A_1832] {strides = array<i32>} : memref<8x32x128xf32, #tpu.memory_space<vmem>>, vector<1x1x16xf32>,
        %get3A_1834 = vector.shape_cast %get3A_1833 : vector<1x1x16xf32> to vector<16xf32>
        %add3A_1835 = arith.addf %add3A_1828, %get3A_1834 : vector<16xf32>
        %swap3A_1836 = arith.index_cast %scan3A_18 : i32 to index
        %swap3A_1837 = arith.constant 112 : index
        %swap3A_1838 = tpu.vector_load %arg5[%swap3A_1836, %swap3A_1837] {strides = array<i32>} : memref<8x128xf32, #tpu.memory_space<vmem>>, vector<1x16xf32>,
        %swap3A_1839 = vector.shape_cast %swap3A_1838 : vector<1x16xf32> to vector<16xf32>
        %swap3A_1840 = vector.shape_cast %add3A_1835 : vector<16xf32> to vector<1x16xf32>
        tpu.vector_store %arg5[%swap3A_1836, %swap3A_1837], %swap3A_1840 {strides = array<i32>} : memref<8x128xf32, #tpu.memory_space<vmem>>, vector<1x16xf32>,
      }
      %scan3A_17 = arith.constant 8 : i32
      "tpu.region"() ({
        %run_scoped3A = tpu.sem_alloc : memref<!tpu.dma_semaphore, #tpu.memory_space<semaphore_mem>>
        %dma_start3A = arith.constant 0 : i32
        %dma_start3A_18 = tpu.memref_slice %arg3[%multiple_of3A, %dma_start3A] : memref<2048x128xf32, #tpu.memory_space<hbm>> -> memref<8x128xf32, #tpu.memory_space<hbm>>
        %dma_start3A_19 = arith.constant 0 : i32
        %dma_start3A_20 = tpu.memref_slice %arg3[%multiple_of3A, %dma_start3A_19] : memref<2048x128xf32, #tpu.memory_space<hbm>> -> memref<8x128xf32, #tpu.memory_space<hbm>>
        tpu.enqueue_dma source(%arg5 : memref<8x128xf32, #tpu.memory_space<vmem>>) target(%dma_start3A_20 : memref<8x128xf32, #tpu.memory_space<hbm>>) target_semaphore(%run_scoped3A : memref<!tpu.dma_semaphore, #tpu.memory_space<semaphore_mem>>)
        %dma_wait3A = arith.constant 0 : i32
        %dma_wait3A_21 = tpu.memref_slice %arg3[%multiple_of3A, %dma_wait3A] : memref<2048x128xf32, #tpu.memory_space<hbm>> -> memref<8x128xf32, #tpu.memory_space<hbm>>
        %dma_wait3A_22 = arith.constant 0 : i32
        %dma_wait3A_23 = tpu.memref_slice %arg3[%multiple_of3A, %dma_wait3A_22] : memref<2048x128xf32, #tpu.memory_space<hbm>> -> memref<8x128xf32, #tpu.memory_space<hbm>>
        tpu.wait_dma2 semaphore(%run_scoped3A : memref<!tpu.dma_semaphore, #tpu.memory_space<semaphore_mem>>) src(%arg5 : memref<8x128xf32, #tpu.memory_space<vmem>>) dst(%dma_wait3A_23 : memref<8x128xf32, #tpu.memory_space<hbm>>)
        tpu.yield
      }) : () -> ()
    }
    %scan3A_7 = arith.constant 8 : i32
    return
  }
}

module attributes {stable_mosaic.version = 14 : i64} {
  func.func @_tail_kernel(%arg0: i32, %arg1: memref<512x128xf32, #tpu.memory_space<vmem>>, %arg2: memref<512x128xf32, #tpu.memory_space<vmem>>, %arg3: memref<128x128xf32, #tpu.memory_space<vmem>>, %arg4: memref<128x128xf32, #tpu.memory_space<vmem>>, %arg5: memref<1x128xf32, #tpu.memory_space<vmem>>, %arg6: memref<10000x128xf32, #tpu.memory_space<any>>, %arg7: memref<512x128xf32, #tpu.memory_space<vmem>>) attributes {dimension_semantics = [#tpu.dimension_semantics<arbitrary>], iteration_bounds = array<i64: 4>, scalar_prefetch = 0 : i64, scratch_operands = 0 : i64, tpu.core_type = #tpu.core_type<tc>, window_params = [{transform_indices = @transform_0, window_bounds = array<i64: 512, 128>}, {transform_indices = @transform_1, window_bounds = array<i64: 512, 128>}, {pipeline_mode = #tpu.pipeline_mode<synchronous>, transform_indices = @transform_2, window_bounds = array<i64: 128, 128>}, {pipeline_mode = #tpu.pipeline_mode<synchronous>, transform_indices = @transform_3, window_bounds = array<i64: 128, 128>}, {pipeline_mode = #tpu.pipeline_mode<synchronous>, transform_indices = @transform_4, window_bounds = array<i64: 1, 128>}, {}, {transform_indices = @transform_6, window_bounds = array<i64: 512, 128>}]} {
    %get3A = arith.constant 0 : index
    %get3A_0 = arith.constant 0 : index
    %get3A_1 = vector.load %arg1[%get3A, %get3A_0] : memref<512x128xf32, #tpu.memory_space<vmem>>, vector<512x128xf32>
    %get3A_2 = arith.constant 0 : index
    %get3A_3 = arith.constant 0 : index
    %get3A_4 = vector.load %arg3[%get3A_2, %get3A_3] : memref<128x128xf32, #tpu.memory_space<vmem>>, vector<128x128xf32>
    %dot_general3A = arith.constant dense<0.000000e+00> : vector<512x128xf32>
    %dot_general3A_5 = tpu.matmul %get3A_1, %get3A_4, %dot_general3A {dimension_numbers = #tpu.dot_dimension_numbers<[1], [0], [0], [1], [0, 0, 1, 1], [], []>, transpose_lhs_hint = false} : vector<512x128xf32>, vector<128x128xf32>, vector<512x128xf32> -> vector<512x128xf32>
    %get3A_6 = arith.constant 0 : index
    %get3A_7 = arith.constant 0 : index
    %get3A_8 = vector.load %arg2[%get3A_6, %get3A_7] : memref<512x128xf32, #tpu.memory_space<vmem>>, vector<512x128xf32>
    %mul3A = arith.constant 3.125000e-02 : f32
    %mul3A_9 = vector.broadcast %mul3A : f32 to vector<512x128xf32>
    %mul3A_10 = arith.mulf %get3A_8, %mul3A_9 : vector<512x128xf32>
    %get3A_11 = arith.constant 0 : index
    %get3A_12 = arith.constant 0 : index
    %get3A_13 = vector.load %arg4[%get3A_11, %get3A_12] : memref<128x128xf32, #tpu.memory_space<vmem>>, vector<128x128xf32>
    %dot_general3A_14 = arith.constant dense<0.000000e+00> : vector<512x128xf32>
    %dot_general3A_15 = tpu.matmul %mul3A_10, %get3A_13, %dot_general3A_14 {dimension_numbers = #tpu.dot_dimension_numbers<[1], [0], [0], [1], [0, 0, 1, 1], [], []>, transpose_lhs_hint = false} : vector<512x128xf32>, vector<128x128xf32>, vector<512x128xf32> -> vector<512x128xf32>
    %add3A = arith.addf %dot_general3A_5, %dot_general3A_15 : vector<512x128xf32>
    %get3A_16 = arith.constant 0 : index
    %get3A_17 = arith.constant 0 : index
    %get3A_18 = vector.load %arg5[%get3A_16, %get3A_17] : memref<1x128xf32, #tpu.memory_space<vmem>>, vector<1x128xf32>
    %add3A_19 = vector.broadcast %get3A_18 : vector<1x128xf32> to vector<512x128xf32>
    %add3A_20 = arith.addf %add3A, %add3A_19 : vector<512x128xf32>
    %swap3A = arith.constant 0 : index
    %swap3A_21 = arith.constant 0 : index
    %swap3A_22 = vector.load %arg7[%swap3A, %swap3A_21] : memref<512x128xf32, #tpu.memory_space<vmem>>, vector<512x128xf32>
    tpu.vector_store %arg7[%swap3A, %swap3A_21], %add3A_20 {strides = array<i32>} : memref<512x128xf32, #tpu.memory_space<vmem>>, vector<512x128xf32>,
    return
  }
  func.func @transform_0(%arg0: i32) -> (i32, i32) {
    %c0_i32 = arith.constant 0 : i32
    %c0_i32_0 = arith.constant 0 : i32
    return %arg0, %c0_i32 : i32, i32
  }
  func.func @transform_1(%arg0: i32) -> (i32, i32) {
    %c0_i32 = arith.constant 0 : i32
    %c0_i32_0 = arith.constant 0 : i32
    return %arg0, %c0_i32 : i32, i32
  }
  func.func @transform_2(%arg0: i32) -> (i32, i32) {
    %c0_i32 = arith.constant 0 : i32
    %c0_i32_0 = arith.constant 0 : i32
    %c0_i32_1 = arith.constant 0 : i32
    return %c0_i32, %c0_i32_0 : i32, i32
  }
  func.func @transform_3(%arg0: i32) -> (i32, i32) {
    %c0_i32 = arith.constant 0 : i32
    %c0_i32_0 = arith.constant 0 : i32
    %c0_i32_1 = arith.constant 0 : i32
    return %c0_i32, %c0_i32_0 : i32, i32
  }
  func.func @transform_4(%arg0: i32) -> (i32, i32) {
    %c0_i32 = arith.constant 0 : i32
    %c0_i32_0 = arith.constant 0 : i32
    %c0_i32_1 = arith.constant 0 : i32
    return %c0_i32, %c0_i32_0 : i32, i32
  }
  func.func @transform_6(%arg0: i32) -> (i32, i32) {
    %c0_i32 = arith.constant 0 : i32
    %c0_i32_0 = arith.constant 0 : i32
    return %arg0, %c0_i32 : i32, i32
  }
}

module attributes {stable_mosaic.version = 14 : i64} {
  func.func @_fused_kernel(%arg0: i32, %arg1: memref<512x128xf32, #tpu.memory_space<vmem>>, %arg2: memref<512x32x128xf32, #tpu.memory_space<vmem>>, %arg3: memref<128x128xf32, #tpu.memory_space<vmem>>, %arg4: memref<128x128xf32, #tpu.memory_space<vmem>>, %arg5: memref<1x128xf32, #tpu.memory_space<vmem>>, %arg6: memref<512x128xf32, #tpu.memory_space<vmem>>) attributes {dimension_semantics = [#tpu.dimension_semantics<arbitrary>], iteration_bounds = array<i64: 16>, scalar_prefetch = 0 : i64, scratch_operands = 0 : i64, tpu.core_type = #tpu.core_type<tc>, window_params = [{transform_indices = @transform_0, window_bounds = array<i64: 512, 128>}, {transform_indices = @transform_1, window_bounds = array<i64: 512, 32, 128>}, {pipeline_mode = #tpu.pipeline_mode<synchronous>, transform_indices = @transform_2, window_bounds = array<i64: 128, 128>}, {pipeline_mode = #tpu.pipeline_mode<synchronous>, transform_indices = @transform_3, window_bounds = array<i64: 128, 128>}, {pipeline_mode = #tpu.pipeline_mode<synchronous>, transform_indices = @transform_4, window_bounds = array<i64: 1, 128>}, {transform_indices = @transform_5, window_bounds = array<i64: 512, 128>}]} {
    %get3A = arith.constant 0 : index
    %get3A_0 = arith.constant 0 : index
    %get3A_1 = arith.constant 0 : index
    %get3A_2 = vector.load %arg2[%get3A, %get3A_0, %get3A_1] : memref<512x32x128xf32, #tpu.memory_space<vmem>>, vector<512x32x128xf32>
    %reduce_sum3A = arith.constant dense<0.000000e+00> : vector<512x128xf32>
    %reduce_sum3A_3 = vector.multi_reduction <add>, %get3A_2, %reduce_sum3A [1] : vector<512x32x128xf32> to vector<512x128xf32>
    %get3A_4 = arith.constant 0 : index
    %get3A_5 = arith.constant 0 : index
    %get3A_6 = vector.load %arg1[%get3A_4, %get3A_5] : memref<512x128xf32, #tpu.memory_space<vmem>>, vector<512x128xf32>
    %get3A_7 = arith.constant 0 : index
    %get3A_8 = arith.constant 0 : index
    %get3A_9 = vector.load %arg3[%get3A_7, %get3A_8] : memref<128x128xf32, #tpu.memory_space<vmem>>, vector<128x128xf32>
    %dot_general3A = arith.constant dense<0.000000e+00> : vector<512x128xf32>
    %dot_general3A_10 = tpu.matmul %get3A_6, %get3A_9, %dot_general3A {dimension_numbers = #tpu.dot_dimension_numbers<[1], [0], [0], [1], [0, 0, 1, 1], [], []>, transpose_lhs_hint = false} : vector<512x128xf32>, vector<128x128xf32>, vector<512x128xf32> -> vector<512x128xf32>
    %mul3A = arith.constant 3.125000e-02 : f32
    %mul3A_11 = vector.broadcast %mul3A : f32 to vector<512x128xf32>
    %mul3A_12 = arith.mulf %reduce_sum3A_3, %mul3A_11 : vector<512x128xf32>
    %get3A_13 = arith.constant 0 : index
    %get3A_14 = arith.constant 0 : index
    %get3A_15 = vector.load %arg4[%get3A_13, %get3A_14] : memref<128x128xf32, #tpu.memory_space<vmem>>, vector<128x128xf32>
    %dot_general3A_16 = arith.constant dense<0.000000e+00> : vector<512x128xf32>
    %dot_general3A_17 = tpu.matmul %mul3A_12, %get3A_15, %dot_general3A_16 {dimension_numbers = #tpu.dot_dimension_numbers<[1], [0], [0], [1], [0, 0, 1, 1], [], []>, transpose_lhs_hint = false} : vector<512x128xf32>, vector<128x128xf32>, vector<512x128xf32> -> vector<512x128xf32>
    %add3A = arith.addf %dot_general3A_10, %dot_general3A_17 : vector<512x128xf32>
    %get3A_18 = arith.constant 0 : index
    %get3A_19 = arith.constant 0 : index
    %get3A_20 = vector.load %arg5[%get3A_18, %get3A_19] : memref<1x128xf32, #tpu.memory_space<vmem>>, vector<1x128xf32>
    %add3A_21 = vector.broadcast %get3A_20 : vector<1x128xf32> to vector<512x128xf32>
    %add3A_22 = arith.addf %add3A, %add3A_21 : vector<512x128xf32>
    %swap3A = arith.constant 0 : index
    %swap3A_23 = arith.constant 0 : index
    %swap3A_24 = vector.load %arg6[%swap3A, %swap3A_23] : memref<512x128xf32, #tpu.memory_space<vmem>>, vector<512x128xf32>
    tpu.vector_store %arg6[%swap3A, %swap3A_23], %add3A_22 {strides = array<i32>} : memref<512x128xf32, #tpu.memory_space<vmem>>, vector<512x128xf32>,
    return
  }
  func.func @transform_0(%arg0: i32) -> (i32, i32) {
    %add3A = arith.constant 4 : i32
    %add3A_0 = arith.addi %add3A, %arg0 : i32
    %c0_i32 = arith.constant 0 : i32
    %c0_i32_1 = arith.constant 0 : i32
    return %add3A_0, %c0_i32 : i32, i32
  }
  func.func @transform_1(%arg0: i32) -> (i32, i32, i32) {
    %add3A = arith.constant 4 : i32
    %add3A_0 = arith.addi %add3A, %arg0 : i32
    %c0_i32 = arith.constant 0 : i32
    %c0_i32_1 = arith.constant 0 : i32
    %c0_i32_2 = arith.constant 0 : i32
    return %add3A_0, %c0_i32, %c0_i32_1 : i32, i32, i32
  }
  func.func @transform_2(%arg0: i32) -> (i32, i32) {
    %c0_i32 = arith.constant 0 : i32
    %c0_i32_0 = arith.constant 0 : i32
    %c0_i32_1 = arith.constant 0 : i32
    return %c0_i32, %c0_i32_0 : i32, i32
  }
  func.func @transform_3(%arg0: i32) -> (i32, i32) {
    %c0_i32 = arith.constant 0 : i32
    %c0_i32_0 = arith.constant 0 : i32
    %c0_i32_1 = arith.constant 0 : i32
    return %c0_i32, %c0_i32_0 : i32, i32
  }
  func.func @transform_4(%arg0: i32) -> (i32, i32) {
    %c0_i32 = arith.constant 0 : i32
    %c0_i32_0 = arith.constant 0 : i32
    %c0_i32_1 = arith.constant 0 : i32
    return %c0_i32, %c0_i32_0 : i32, i32
  }
  func.func @transform_5(%arg0: i32) -> (i32, i32) {
    %add3A = arith.constant 4 : i32
    %add3A_0 = arith.addi %add3A, %arg0 : i32
    %c0_i32 = arith.constant 0 : i32
    %c0_i32_1 = arith.constant 0 : i32
    return %add3A_0, %c0_i32 : i32, i32
  }
}

</mosaic_0001>

<sc_bundles>
// kernel: kernel.5.cloned.1.call-start
scs
__scs_entry_jumppad:
0x0: {  	(pc) =	sbr.rel $0x88, $3  }
0x1: {  	(tag) =	ssettag $0x0;
	lr =	simm.s32 $0x1  }
0x2: {  	[smem:$0x3F9B] =	sst lr;
	_ =	strace $0xD0000000  }
0x3: {  	_ = 	snop  }
0x4: {  	_ = 	snop  }
0x5: {  	_ = 	snop  }
0x6: {  	_ = 	snop  }
0x7: {  	_ = 	snop  }
__scs_overlays_trampoline_lowered:
0x8: {  	[smem:$0x3FAA] =	sst s0  }
0x9: {  	[smem:$0x3FAB] =	sst s1  }
0xa: {  	[smem:$0x3FAC] =	sst s2  }
0xb: {  	[smem:$0x3FAD] =	sst s3  }
0xc: {  	[smem:$0x3FAE] =	sst s4  }
0xd: {  	[smem:$0x3FAF] =	sst s5  }
0xe: {  	[smem:$0x3FB0] =	sst s6  }
0xf: {  	[smem:$0x3FB1] =	sst s7  }
0x10: {  	[smem:$0x3FB2] =	sst s8  }
0x11: {  	[smem:$0x3FB3] =	sst s9;
	s0 =	simm.s32 @!p0 $0x0  }
0x12: {  	s1 =	sld [smem:$0x3F99];
	s0 =	simm.s32 @p0 $0x1  }
0x13: {  	[smem:$0x3FB4] =	sst s0;
	s0 =	simm.s32 @!p1 $0x0  }
0x14: {  	s2 =	sld [smem:$0x3F98];
	s0 =	simm.s32 @p1 $0x1  }
0x15: {  	[smem:$0x3FB5] =	sst s0;
	s0 =	simm.s32 @!p2 $0x0  }
0x16: {  	s3 =	sld [smem:$0x3FDB];
	s0 =	simm.s32 @p2 $0x1  }
0x17: {  	s4 =	simm.s32 $0x1BF5;
	[smem:$0x3FB7] =	sst s0  }
0x18: {  	s0 =	sld [smem:$0x3F9A];
	_ =	swait.ge [sflag:s4], $0x0  }
0x19: {  	s7 =	sld [smem:$0x3F9B]  }
0x1a: {  	s8 =	sadd.s32 $0xFFFFE003, lr  }
0x1b: {  	s9 =	sadd.s32 $0xFFFFFEF7, lr;
	s5 =	simm.s32 $0xFFFFFFFF;
	p2 =	slt.u32 s8, $0xFFFFF086  }
0x1c: {  	p1 =	slt.u32 s9, $0xF7A;
	s5 =	simm.s32 @!p2 $0x0  }
0x1d: {  	s5 =	simm.s32 @p1 $0x1;
	p0 =	seq.s32 s7, s2  }
0x1e: {  	s7 =	smul.u32 @!p0 $0xF7A, s2;
	p2 =	seq.s32 @!p0 s5, $0x0  }
0x1f: {  	s9 =	smul.u32 $0xF7A, s1;
	s8 =	simm.s32 @!p0 $0x1BF5;
	p2 =	por !p2, p0  }
0x20: {  	[sflag:s8] =	ssyncset.s32 @!p0 $0xFFFFF086;
	s6 =	sadd.s32 @!p0 s3, s7;
	s7 =	simm.s32 @!p0 $0x108  }
0x21: {  	s3 =	sadd.s32 s3, s9;
	s6 =	sadd.s32 @!p0 $0x88, s6;
	s7 =	simm.s32 @p2 $0x1082  }
0x22: {  	[simem:s7], [sflag:s8] =	dma.local @!p0 [hbm:s6], $0xF7A  }
0x23: {  	s9 =	sor.u32 $0xD0000000, s2;
	s6 =	simm.s32 $0x108;
	_ =	swait.ge @!p0 [sflag:s8], $0x0  }
0x24: {  	s3 =	sadd.s32 $0x88, s3;
	s6 =	simm.s32 @!p1 $0x1082;
	[sflag:s4] =	ssyncset.s32 $0xFFFFF086  }
0x25: {  	[simem:s6], [sflag:s4] =	dma.local [hbm:s3], $0xF7A  }
0x26: {  	[smem:$0x3F9B] =	sst s1;
	(tag) =	ssettag s2;
	_ =	strace s9  }
0x27: {  	s1 =	sld [smem:$0x3FAB]  }
0x28: {  	s2 =	sld [smem:$0x3FAC]  }
0x29: {  	s4 =	sld [smem:$0x3FAE]  }
0x2a: {  	p0 =	seq.s32 s5, $0x0;
	s5 =	sld [smem:$0x3FAF]  }
0x2b: {  	s6 =	sld [smem:$0x3FB0]  }
0x2c: {  	s7 =	sld [smem:$0x3FB1]  }
0x2d: {  	s3 =	simm.s32 $0x108;
	s8 =	sld [smem:$0x3FB2]  }
0x2e: {  	s3 =	simm.s32 @!p0 $0x1082;
	s9 =	sld [smem:$0x3FB3]  }
0x2f: {  	lr =	sadd.s32 s0, s3;
	s0 =	sld [smem:$0x3FAA]  }
0x30: {  	s3 =	sld [smem:$0x3FAD]  }
0x31: {  	[smem:$0x3FB6] =	sst s10  }
0x32: {  	s10 =	sld [smem:$0x3FB4];
	_ =	sdelay $0x3  }
0x33: {  	p0 =	seq.s32 s10, $0x1;
	s10 =	sld [smem:$0x3FB6];
	_ =	sdelay $0x3  }
0x34: {  	[smem:$0x3FB6] =	sst s10  }
0x35: {  	s10 =	sld [smem:$0x3FB5];
	_ =	sdelay $0x3  }
0x36: {  	p1 =	seq.s32 s10, $0x1;
	s10 =	sld [smem:$0x3FB6];
	_ =	sdelay $0x3  }
0x37: {  	[smem:$0x3FB6] =	sst s10  }
0x38: {  	s10 =	sld [smem:$0x3FB7]  }
0x39: {  	_ = 	snop;
	(pc) =	sbr.ind lr, $3  }
0x3a: {  	_ = 	snop  }
0x3b: {  	_ = 	snop  }
0x3c: {  	p2 =	seq.s32 s10, $0x1;
	s10 =	sld [smem:$0x3FB6]  }
0x3d: {  	_ =	shalt  }
0x3e: {  	_ =	shalt  }
0x3f: {  	_ =	shalt  }
0x40: {  	_ =	shalt  }
0x41: {  	_ =	shalt  }
0x42: {  	_ =	shalt  }
0x43: {  	_ =	shalt  }
0x44: {  	_ =	shalt  }
0x45: {  	_ =	shalt  }
0x46: {  	_ =	shalt  }
0x47: {  	_ =	shalt  }
0x48: {  	_ =	shalt  }
0x49: {  	_ =	shalt  }
0x4a: {  	_ =	shalt  }
0x4b: {  	_ =	shalt  }
0x4c: {  	_ =	shalt  }
0x4d: {  	_ =	shalt  }
0x4e: {  	_ =	shalt  }
0x4f: {  	_ =	shalt  }
0x50: {  	_ =	shalt  }
0x51: {  	_ =	shalt  }
0x52: {  	_ =	shalt  }
0x53: {  	_ =	shalt  }
0x54: {  	_ =	shalt  }
0x55: {  	_ =	shalt  }
0x56: {  	_ =	shalt  }
0x57: {  	_ =	shalt  }
0x58: {  	_ =	shalt  }
0x59: {  	_ =	shalt  }
0x5a: {  	_ =	shalt  }
0x5b: {  	_ =	shalt  }
0x5c: {  	_ =	shalt  }
0x5d: {  	_ =	shalt  }
0x5e: {  	_ =	shalt  }
0x5f: {  	_ =	shalt  }
0x60: {  	_ =	shalt  }
0x61: {  	_ =	shalt  }
0x62: {  	_ =	shalt  }
0x63: {  	_ =	shalt  }
0x64: {  	_ =	shalt  }
0x65: {  	_ =	shalt  }
0x66: {  	_ =	shalt  }
0x67: {  	_ =	shalt  }
0x68: {  	_ =	shalt  }
0x69: {  	_ =	shalt  }
0x6a: {  	_ =	shalt  }
0x6b: {  	_ =	shalt  }
0x6c: {  	_ =	shalt  }
0x6d: {  	_ =	shalt  }
0x6e: {  	_ =	shalt  }
0x6f: {  	_ =	shalt  }
0x70: {  	_ =	shalt  }
0x71: {  	_ =	shalt  }
0x72: {  	_ =	shalt  }
0x73: {  	_ =	shalt  }
0x74: {  	_ =	shalt  }
0x75: {  	_ =	shalt  }
0x76: {  	_ =	shalt  }
0x77: {  	_ =	shalt  }
0x78: {  	_ =	shalt  }
0x79: {  	_ =	shalt  }
0x7a: {  	_ =	shalt  }
0x7b: {  	_ =	shalt  }
0x7c: {  	_ =	shalt  }
0x7d: {  	_ =	shalt  }
0x7e: {  	_ =	shalt  }
0x7f: {  	_ =	shalt  }
0x80: {  	_ =	shalt  }
0x81: {  	_ =	shalt  }
0x82: {  	_ =	shalt  }
0x83: {  	_ =	shalt  }
0x84: {  	_ =	shalt  }
0x85: {  	_ =	shalt  }
0x86: {  	_ =	shalt  }
0x87: {  	_ =	shalt  }
.Lfunc_end0:
.L_simem_size_0:
called_computation_lowered:
.L_overlay_start_0:
0x88: {  	s2 =	sld [smem:$0x3FD9]  }
0x89: {  	s3 =	sld [smem:$0x3FFE];
	_ =	sdelay $0x1  }
0x8a: {  	s1 =	srdreg.scid  }
0x8b: {  	s0 =	sand.u32 $0x1, s1  }
0x8c: {  	s17 =	sshll.u32 s0, $0xA;
	s2 =	sadd.s32 s3, s2  }
0x8d: {  	s2 =	sadd.s32 s2, s17  }
0x8e: {  	[smem:$0x3FC2] =	sst s2  }
0x8f: {  	_ = 	snop  }
0x90: {  	s2 =	sld [smem:$0x3FC8];
	(tm) =	ssettm $0x1  }
0x91: {  	s18 =	sld [smem:$0x3FFB];
	_ =	sdelay $0x3  }
0x92: {  	_ =	strace s18  }
0x93: {  	s3 =	sld [smem:$0x3FFC];
	_ =	sdelay $0x3  }
0x94: {  	_ =	strace s3  }
0x95: {  	s3 =	sld [smem:$0x3FFD];
	_ =	sdelay $0x3  }
0x96: {  	_ =	strace s3  }
0x97: {  	_ =	strace $0x8FFFFFFF  }
0x98: {  	s19 =	sld [smem:$0x3FDB];
	_ =	sdelay $0x1  }
0x99: {  	s4 =	simm.s32 $_scs_section_size  }
0x9a: {  	s5 =	simm.s32 $_size__tile_overlayer_lowered;
	s6 =	simm.s32 $_tile_overlayer_lowered  }
0x9b: {  	s22 =	simm.s32 $0x1BFF;
	s21 =	sshll.u32 s6, $0x1;
	s3 =	sadd.s32 s4, s19  }
0x9c: {  	s7 =	simm.s32 $0x0;
	s20 =	sshll.u32 s5, $0x1;
	s5 =	sadd.s32 s21, s3  }
0x9d: {  	[timem:s7], [sflag:s22] =	dma.local [hbm:s5], s20  }
0x9e: {  	_ =	swait.ge [sflag:s22], s20  }
0x9f: {  	s4 =	ssub.s32 $0x0, s20;
	[sflag:s22] =	ssyncset.done $0x0  }
0xa0: {  	[sflag:s22] =	ssyncadd.s32 s4;
	_ =	sdelay $0x1  }
0xa1: {  	s23 =	simm.s32 $0x1B8B  }
0xa2: {  	_ =	swait.ge [sflag:s23], $0x1  }
0xa3: {  	[sflag:s23] =	ssyncset.done $0x0  }
0xa4: {  	s25 =	simm.s32 $0x1B8E;
	s24 =	sld [smem:$0x3FFE];
	[sflag:s23] =	ssyncadd.s32 $0xFFFFFFFF  }
0xa5: {  	s26 =	simm.s32 $execute0_lowered;
	[smem:$0x3FD2] =	sst s25  }
0xa6: {  	s5 =	sshll.u32 s26, $0x1;
	_ =	strace $0x80000046;
	[dreg:$0x1] =	wrdreg $0xFFFFFFFF  }
0xa7: {  	s28 =	simm.s32 $_size_execute0_lowered;
	s3 =	sadd.s32 s3, s5;
	[dreg:$0x0] =	wrdreg $0x0  }
0xa8: {  	s5 =	sshll.u32 s28, $0x1;
	[dreg:$0x2] =	wrdreg s3  }
0xa9: {  	[dreg:$0x3] =	wrdreg s5  }
0xaa: {  	[dreg:$0x4] =	wrdreg $0xC0  }
0xab: {  	_ =	task [dreg:s7], $0x5FFFF  }
0xac: {  	[dreg:$0x1] =	wrdreg $0xFFFFFFFF  }
0xad: {  	[dreg:$0x0] =	wrdreg $0x60  }
0xae: {  	[dreg:$0x2] =	wrdreg s2  }
0xaf: {  	[dreg:$0x3] =	wrdreg s24  }
0xb0: {  	[dreg:$0x4] =	wrdreg $0x9  }
0xb1: {  	_ =	task.clear_ibuf [dreg:s7], $0x5FFFF;
	_ =	strace $0x90000046  }
0xb2: {  	s29 =	simm.s32 $0x9;
	_ =	strace $0x80000048  }
0xb3: {  	_ =	swait.ge [sflag:s29], $0x1  }
0xb4: {  	[sflag:s29] =	ssyncadd.s32 $0xFFFFFFFF  }
0xb5: {  	_ =	strace $0x90000048  }
0xb6: {  	_ =	sfence  }
0xb7: {  	s30 =	sld [smem:$0x0];
	_ =	sdelay $0x2  }
0xb8: {  	s31 =	sshll.u32 s1, $0xD;
	s1 =	sshrl.u32 s1, $0x2  }
0xb9: {  	s3 =	sand.u32 $0x4000, s31;
	s1 =	sadd.s32 s1, s30  }
0xba: {  	s0 =	sor.u32 s3, s0;
	s1 =	sshll.u32 s1, $0x11  }
0xbb: {  	s0 =	sor.u32 s1, s0  }
0xbc: {  	s0 =	sadd.s32 $0x8F2B, s0  }
0xbd: {  	[sflag:s0] =	ssyncadd.remote.s32 $0x1  }
0xbe: {  	_ =	sfence.sel $0xFFFF  }
0xbf: {  	[dreg:$0x0] =	wrdreg $0xFFFFFFFF;
	(pc) =	sbr.abs _section_cstart, $3  }
0xc0: {  	[dreg:$0x1] =	wrdreg $0xFFFFFFFF  }
0xc1: {  	_ =	task.clear_ibuf [dreg:s7], $0x2FFFF;
	_ =	strace $0x9FFFFFFF  }
0xc2: {  	(tm) =	ssettm $0x7FFFFFFF  }
0xc3: {  	_ =	shalt  }
tec
execute0_lowered:
.L_overlay_start_1:
0x0: {  	(tag) =	ssettag $0x1  }
0x1: {  	s1 =	rddreg [dreg:$0x0]  }
0x2: {  	s4 =	rddreg [dreg:$0x1]  }
0x3: {  	s3 =	srdreg.scid;
	s0 =	rddreg [dreg:$0x2];
	s2 =	simm.s32 $0x0  }
0x4: {  	s8 =	simm.s32 $0x8000;
	s9 =	simm.s32 $0x0;
	s5 =	sand.u32 $0x1, s3  }
0x5: {  	[smem:$0x7FF] =	sst s2;
	s3 =	stileid.u32;
	s6 =	ssub.s32 $0x2, s5  }
0x6: {  	s4 =	sadd.s32 $0x1000, s4;
	_ =	strace $0x80000047;
	s7 =	sshrl.u32 s6, $0x1  }
0x7: {  	s31 =	sshll.u32 s3, $0x7;
	s5 =	sshll.u32 s5, $0x6;
	s6 =	ssub.s32 s6, s7  }
0x8: {  	s5 =	sor.u32 s5, s31;
	s7 =	simm.s32 $0x1;
	s6 =	smax.u32 s6, $0x1  }
.LBB2_1:
0x9: {  	s10 =	simm.s32 $0x0  }
.LBB2_2:
0xa: {  	s11 =	sshll.u32 s10, $0x3  }
0xb: {  	s11 =	sadd.s32 s5, s11  }
0xc: {  	s12 =	sshll.u32 s11, $0x9  }
0xd: {  	s13 =	sadd.s32 s1, s12;
	s12 =	simm.s32 $0x0  }
0xe: {  	[tilespmem:s12], [sflag:$0x1] =	stream.linear.gather [hbm4b:s13+s12], $0x8000, $0x38;
	[tilespmem:$0x8400] =	vst v63  }
0xf: {  	_ =	swait.ge [sflag:s7], $0x8000  }
0x10: {  	[sflag:s7] =	ssyncset.done $0x0  }
0x11: {  	[sflag:s7] =	ssyncadd.s32 $0xFFFF8000  }
.LBB2_3:
0x12: {  	s13 =	sshll.u32 s12, $0xC  }
0x13: {  	s13 =	sand.u32 $0x3FFFF000, s13  }
0x14: {  	v0 =	vld [tilespmem:s13+$0x0]  }
0x15: {  	v1 =	vld [tilespmem:s13+$0x80];
	_ =	sdelay $0x1  }
0x16: {  	v2 =	vld [tilespmem:s13+$0x100];
	_ =	sdelay $0x1  }
0x17: {  	v3 =	vld [tilespmem:s13+$0x180]  }
0x18: {  	v0 =	vadd.f32 v1, v0  }
0x19: {  	v51 =	vld [tilespmem:s13+$0x200]  }
0x1a: {  	v0 =	vadd.f32 v2, v0  }
0x1b: {  	v52 =	vld [tilespmem:s13+$0x280]  }
0x1c: {  	v0 =	vadd.f32 v3, v0  }
0x1d: {  	v53 =	vld [tilespmem:s13+$0x300]  }
0x1e: {  	v0 =	vadd.f32 v51, v0  }
0x1f: {  	v54 =	vld [tilespmem:s13+$0x380]  }
0x20: {  	v0 =	vadd.f32 v52, v0  }
0x21: {  	v55 =	vld [tilespmem:s13+$0x400]  }
0x22: {  	v0 =	vadd.f32 v53, v0  }
0x23: {  	v56 =	vld [tilespmem:s13+$0x480]  }
0x24: {  	v0 =	vadd.f32 v54, v0  }
0x25: {  	v57 =	vld [tilespmem:s13+$0x500]  }
0x26: {  	v0 =	vadd.f32 v55, v0  }
0x27: {  	v58 =	vld [tilespmem:s13+$0x580]  }
0x28: {  	v0 =	vadd.f32 v56, v0  }
0x29: {  	v59 =	vld [tilespmem:s13+$0x600]  }
0x2a: {  	v0 =	vadd.f32 v57, v0  }
0x2b: {  	v60 =	vld [tilespmem:s13+$0x680]  }
0x2c: {  	v0 =	vadd.f32 v58, v0  }
0x2d: {  	v61 =	vld [tilespmem:s13+$0x700]  }
0x2e: {  	v0 =	vadd.f32 v59, v0  }
0x2f: {  	v62 =	vld [tilespmem:s13+$0x780]  }
0x30: {  	v0 =	vadd.f32 v60, v0  }
0x31: {  	v63 =	vld [tilespmem:s13+$0x800]  }
0x32: {  	v0 =	vadd.f32 v61, v0  }
0x33: {  	v6 =	vld [tilespmem:s13+$0x880]  }
0x34: {  	v0 =	vadd.f32 v62, v0  }
0x35: {  	v7 =	vld [tilespmem:s13+$0x900]  }
0x36: {  	v0 =	vadd.f32 v63, v0  }
0x37: {  	v8 =	vld [tilespmem:s13+$0x980]  }
0x38: {  	v0 =	vadd.f32 v6, v0  }
0x39: {  	v9 =	vld [tilespmem:s13+$0xA00]  }
0x3a: {  	v0 =	vadd.f32 v7, v0  }
0x3b: {  	v10 =	vld [tilespmem:s13+$0xA80]  }
0x3c: {  	v0 =	vadd.f32 v8, v0  }
0x3d: {  	v11 =	vld [tilespmem:s13+$0xB00]  }
0x3e: {  	v0 =	vadd.f32 v9, v0  }
0x3f: {  	v12 =	vld [tilespmem:s13+$0xB80]  }
0x40: {  	v0 =	vadd.f32 v10, v0  }
0x41: {  	v13 =	vld [tilespmem:s13+$0xC00]  }
0x42: {  	v0 =	vadd.f32 v11, v0  }
0x43: {  	v14 =	vld [tilespmem:s13+$0xC80]  }
0x44: {  	v0 =	vadd.f32 v12, v0  }
0x45: {  	v15 =	vld [tilespmem:s13+$0xD00]  }
0x46: {  	v0 =	vadd.f32 v13, v0  }
0x47: {  	v16 =	vld [tilespmem:s13+$0xD80]  }
0x48: {  	v0 =	vadd.f32 v14, v0  }
0x49: {  	v17 =	vld [tilespmem:s13+$0xE00]  }
0x4a: {  	v0 =	vadd.f32 v15, v0  }
0x4b: {  	v18 =	vld [tilespmem:s13+$0xE80]  }
0x4c: {  	v0 =	vadd.f32 v16, v0  }
0x4d: {  	v19 =	vld [tilespmem:s13+$0xF00]  }
0x4e: {  	v0 =	vadd.f32 v17, v0  }
0x4f: {  	v20 =	vld [tilespmem:s13+$0xF80]  }
0x50: {  	v0 =	vadd.f32 v18, v0;
	_ =	sdelay $0x1  }
0x51: {  	v0 =	vadd.f32 v19, v0;
	_ =	sdelay $0x1  }
0x52: {  	s14 =	sshll.u32 s12, $0x7;
	v0 =	vadd.f32 v20, v0  }
0x53: {  	s14 =	sand.u32 $0x3FFFFF80, s14  }
0x54: {  	[tilespmem:s14+$0x8000] =	vst v0  }
0x55: {  	v0 =	vld [tilespmem:s13+$0x10]  }
0x56: {  	v21 =	vld [tilespmem:s13+$0x90];
	_ =	sdelay $0x1  }
0x57: {  	v22 =	vld [tilespmem:s13+$0x110];
	_ =	sdelay $0x1  }
0x58: {  	v23 =	vld [tilespmem:s13+$0x190]  }
0x59: {  	v0 =	vadd.f32 v21, v0  }
0x5a: {  	v24 =	vld [tilespmem:s13+$0x210]  }
0x5b: {  	v0 =	vadd.f32 v22, v0  }
0x5c: {  	v25 =	vld [tilespmem:s13+$0x290]  }
0x5d: {  	v0 =	vadd.f32 v23, v0  }
0x5e: {  	v26 =	vld [tilespmem:s13+$0x310]  }
0x5f: {  	v0 =	vadd.f32 v24, v0  }
0x60: {  	v27 =	vld [tilespmem:s13+$0x390]  }
0x61: {  	v0 =	vadd.f32 v25, v0  }
0x62: {  	v28 =	vld [tilespmem:s13+$0x410]  }
0x63: {  	v0 =	vadd.f32 v26, v0  }
0x64: {  	v29 =	vld [tilespmem:s13+$0x490]  }
0x65: {  	v0 =	vadd.f32 v27, v0  }
0x66: {  	v30 =	vld [tilespmem:s13+$0x510]  }
0x67: {  	v0 =	vadd.f32 v28, v0  }
0x68: {  	v31 =	vld [tilespmem:s13+$0x590]  }
0x69: {  	v0 =	vadd.f32 v29, v0  }
0x6a: {  	v32 =	vld [tilespmem:s13+$0x610]  }
0x6b: {  	v0 =	vadd.f32 v30, v0  }
0x6c: {  	v33 =	vld [tilespmem:s13+$0x690]  }
0x6d: {  	v0 =	vadd.f32 v31, v0  }
0x6e: {  	v34 =	vld [tilespmem:s13+$0x710]  }
0x6f: {  	v0 =	vadd.f32 v32, v0  }
0x70: {  	v35 =	vld [tilespmem:s13+$0x790]  }
0x71: {  	v0 =	vadd.f32 v33, v0  }
0x72: {  	v36 =	vld [tilespmem:s13+$0x810]  }
0x73: {  	v0 =	vadd.f32 v34, v0  }
0x74: {  	v37 =	vld [tilespmem:s13+$0x890]  }
0x75: {  	v0 =	vadd.f32 v35, v0  }
0x76: {  	v38 =	vld [tilespmem:s13+$0x910]  }
0x77: {  	v0 =	vadd.f32 v36, v0  }
0x78: {  	v39 =	vld [tilespmem:s13+$0x990]  }
0x79: {  	v0 =	vadd.f32 v37, v0  }
0x7a: {  	v40 =	vld [tilespmem:s13+$0xA10]  }
0x7b: {  	v0 =	vadd.f32 v38, v0  }
0x7c: {  	v41 =	vld [tilespmem:s13+$0xA90]  }
0x7d: {  	v0 =	vadd.f32 v39, v0  }
0x7e: {  	v42 =	vld [tilespmem:s13+$0xB10]  }
0x7f: {  	v0 =	vadd.f32 v40, v0  }
0x80: {  	v43 =	vld [tilespmem:s13+$0xB90]  }
0x81: {  	v0 =	vadd.f32 v41, v0  }
0x82: {  	v44 =	vld [tilespmem:s13+$0xC10]  }
0x83: {  	v0 =	vadd.f32 v42, v0  }
0x84: {  	v45 =	vld [tilespmem:s13+$0xC90]  }
0x85: {  	v0 =	vadd.f32 v43, v0  }
0x86: {  	v46 =	vld [tilespmem:s13+$0xD10]  }
0x87: {  	v0 =	vadd.f32 v44, v0  }
0x88: {  	v47 =	vld [tilespmem:s13+$0xD90]  }
0x89: {  	v0 =	vadd.f32 v45, v0  }
0x8a: {  	v48 =	vld [tilespmem:s13+$0xE10]  }
0x8b: {  	v0 =	vadd.f32 v46, v0  }
0x8c: {  	v49 =	vld [tilespmem:s13+$0xE90]  }
0x8d: {  	v0 =	vadd.f32 v47, v0  }
0x8e: {  	v50 =	vld [tilespmem:s13+$0xF10]  }
0x8f: {  	v0 =	vadd.f32 v48, v0  }
0x90: {  	v51 =	vld [tilespmem:s13+$0xF90]  }
0x91: {  	v0 =	vadd.f32 v49, v0;
	_ =	sdelay $0x1  }
0x92: {  	v0 =	vadd.f32 v50, v0;
	_ =	sdelay $0x1  }
0x93: {  	v0 =	vadd.f32 v51, v0;
	_ =	sdelay $0x1  }
0x94: {  	[tilespmem:s14+$0x8010] =	vst v0  }
0x95: {  	v0 =	vld [tilespmem:s13+$0x20]  }
0x96: {  	v52 =	vld [tilespmem:s13+$0xA0];
	_ =	sdelay $0x1  }
0x97: {  	v53 =	vld [tilespmem:s13+$0x120];
	_ =	sdelay $0x1  }
0x98: {  	v54 =	vld [tilespmem:s13+$0x1A0]  }
0x99: {  	v0 =	vadd.f32 v52, v0  }
0x9a: {  	v55 =	vld [tilespmem:s13+$0x220]  }
0x9b: {  	v0 =	vadd.f32 v53, v0  }
0x9c: {  	v56 =	vld [tilespmem:s13+$0x2A0]  }
0x9d: {  	v0 =	vadd.f32 v54, v0  }
0x9e: {  	v57 =	vld [tilespmem:s13+$0x320]  }
0x9f: {  	v0 =	vadd.f32 v55, v0  }
0xa0: {  	v58 =	vld [tilespmem:s13+$0x3A0]  }
0xa1: {  	v0 =	vadd.f32 v56, v0  }
0xa2: {  	v59 =	vld [tilespmem:s13+$0x420]  }
0xa3: {  	v0 =	vadd.f32 v57, v0  }
0xa4: {  	v60 =	vld [tilespmem:s13+$0x4A0]  }
0xa5: {  	v0 =	vadd.f32 v58, v0  }
0xa6: {  	v61 =	vld [tilespmem:s13+$0x520]  }
0xa7: {  	v0 =	vadd.f32 v59, v0  }
0xa8: {  	v62 =	vld [tilespmem:s13+$0x5A0]  }
0xa9: {  	v0 =	vadd.f32 v60, v0  }
0xaa: {  	v63 =	vld [tilespmem:s13+$0x620]  }
0xab: {  	v0 =	vadd.f32 v61, v0  }
0xac: {  	v6 =	vld [tilespmem:s13+$0x6A0]  }
0xad: {  	v0 =	vadd.f32 v62, v0  }
0xae: {  	v7 =	vld [tilespmem:s13+$0x720]  }
0xaf: {  	v0 =	vadd.f32 v63, v0  }
0xb0: {  	v8 =	vld [tilespmem:s13+$0x7A0]  }
0xb1: {  	v0 =	vadd.f32 v6, v0  }
0xb2: {  	v9 =	vld [tilespmem:s13+$0x820]  }
0xb3: {  	v0 =	vadd.f32 v7, v0  }
0xb4: {  	v10 =	vld [tilespmem:s13+$0x8A0]  }
0xb5: {  	v0 =	vadd.f32 v8, v0  }
0xb6: {  	v11 =	vld [tilespmem:s13+$0x920]  }
0xb7: {  	v0 =	vadd.f32 v9, v0  }
0xb8: {  	v12 =	vld [tilespmem:s13+$0x9A0]  }
0xb9: {  	v0 =	vadd.f32 v10, v0  }
0xba: {  	v13 =	vld [tilespmem:s13+$0xA20]  }
0xbb: {  	v0 =	vadd.f32 v11, v0  }
0xbc: {  	v14 =	vld [tilespmem:s13+$0xAA0]  }
0xbd: {  	v0 =	vadd.f32 v12, v0  }
0xbe: {  	v15 =	vld [tilespmem:s13+$0xB20]  }
0xbf: {  	v0 =	vadd.f32 v13, v0  }
0xc0: {  	v16 =	vld [tilespmem:s13+$0xBA0]  }
0xc1: {  	v0 =	vadd.f32 v14, v0  }
0xc2: {  	v17 =	vld [tilespmem:s13+$0xC20]  }
0xc3: {  	v0 =	vadd.f32 v15, v0  }
0xc4: {  	v18 =	vld [tilespmem:s13+$0xCA0]  }
0xc5: {  	v0 =	vadd.f32 v16, v0  }
0xc6: {  	v19 =	vld [tilespmem:s13+$0xD20]  }
0xc7: {  	v0 =	vadd.f32 v17, v0  }
0xc8: {  	v20 =	vld [tilespmem:s13+$0xDA0]  }
0xc9: {  	v0 =	vadd.f32 v18, v0  }
0xca: {  	v21 =	vld [tilespmem:s13+$0xE20]  }
0xcb: {  	v0 =	vadd.f32 v19, v0  }
0xcc: {  	v22 =	vld [tilespmem:s13+$0xEA0]  }
0xcd: {  	v0 =	vadd.f32 v20, v0  }
0xce: {  	v23 =	vld [tilespmem:s13+$0xF20]  }
0xcf: {  	v0 =	vadd.f32 v21, v0  }
0xd0: {  	v24 =	vld [tilespmem:s13+$0xFA0]  }
0xd1: {  	v0 =	vadd.f32 v22, v0;
	_ =	sdelay $0x1  }
0xd2: {  	v0 =	vadd.f32 v23, v0;
	_ =	sdelay $0x1  }
0xd3: {  	v0 =	vadd.f32 v24, v0;
	_ =	sdelay $0x1  }
0xd4: {  	[tilespmem:s14+$0x8020] =	vst v0  }
0xd5: {  	v0 =	vld [tilespmem:s13+$0x30]  }
0xd6: {  	v25 =	vld [tilespmem:s13+$0xB0];
	_ =	sdelay $0x1  }
0xd7: {  	v26 =	vld [tilespmem:s13+$0x130];
	_ =	sdelay $0x1  }
0xd8: {  	v27 =	vld [tilespmem:s13+$0x1B0]  }
0xd9: {  	v0 =	vadd.f32 v25, v0  }
0xda: {  	v28 =	vld [tilespmem:s13+$0x230]  }
0xdb: {  	v0 =	vadd.f32 v26, v0  }
0xdc: {  	v29 =	vld [tilespmem:s13+$0x2B0]  }
0xdd: {  	v0 =	vadd.f32 v27, v0  }
0xde: {  	v30 =	vld [tilespmem:s13+$0x330]  }
0xdf: {  	v0 =	vadd.f32 v28, v0  }
0xe0: {  	v31 =	vld [tilespmem:s13+$0x3B0]  }
0xe1: {  	v0 =	vadd.f32 v29, v0  }
0xe2: {  	v32 =	vld [tilespmem:s13+$0x430]  }
0xe3: {  	v0 =	vadd.f32 v30, v0  }
0xe4: {  	v33 =	vld [tilespmem:s13+$0x4B0]  }
0xe5: {  	v0 =	vadd.f32 v31, v0  }
0xe6: {  	v34 =	vld [tilespmem:s13+$0x530]  }
0xe7: {  	v0 =	vadd.f32 v32, v0  }
0xe8: {  	v35 =	vld [tilespmem:s13+$0x5B0]  }
0xe9: {  	v0 =	vadd.f32 v33, v0  }
0xea: {  	v36 =	vld [tilespmem:s13+$0x630]  }
0xeb: {  	v0 =	vadd.f32 v34, v0  }
0xec: {  	v37 =	vld [tilespmem:s13+$0x6B0]  }
0xed: {  	v0 =	vadd.f32 v35, v0  }
0xee: {  	v38 =	vld [tilespmem:s13+$0x730]  }
0xef: {  	v0 =	vadd.f32 v36, v0  }
0xf0: {  	v39 =	vld [tilespmem:s13+$0x7B0]  }
0xf1: {  	v0 =	vadd.f32 v37, v0  }
0xf2: {  	v40 =	vld [tilespmem:s13+$0x830]  }
0xf3: {  	v0 =	vadd.f32 v38, v0  }
0xf4: {  	v41 =	vld [tilespmem:s13+$0x8B0]  }
0xf5: {  	v0 =	vadd.f32 v39, v0  }
0xf6: {  	v42 =	vld [tilespmem:s13+$0x930]  }
0xf7: {  	v0 =	vadd.f32 v40, v0  }
0xf8: {  	v43 =	vld [tilespmem:s13+$0x9B0]  }
0xf9: {  	v0 =	vadd.f32 v41, v0  }
0xfa: {  	v44 =	vld [tilespmem:s13+$0xA30]  }
0xfb: {  	v0 =	vadd.f32 v42, v0  }
0xfc: {  	v45 =	vld [tilespmem:s13+$0xAB0]  }
0xfd: {  	v0 =	vadd.f32 v43, v0  }
0xfe: {  	v46 =	vld [tilespmem:s13+$0xB30]  }
0xff: {  	v0 =	vadd.f32 v44, v0  }
0x100: {  	v47 =	vld [tilespmem:s13+$0xBB0]  }
0x101: {  	v0 =	vadd.f32 v45, v0  }
0x102: {  	v48 =	vld [tilespmem:s13+$0xC30]  }
0x103: {  	v0 =	vadd.f32 v46, v0  }
0x104: {  	v49 =	vld [tilespmem:s13+$0xCB0]  }
0x105: {  	v0 =	vadd.f32 v47, v0  }
0x106: {  	v50 =	vld [tilespmem:s13+$0xD30]  }
0x107: {  	v0 =	vadd.f32 v48, v0  }
0x108: {  	v51 =	vld [tilespmem:s13+$0xDB0]  }
0x109: {  	v0 =	vadd.f32 v49, v0  }
0x10a: {  	v52 =	vld [tilespmem:s13+$0xE30]  }
0x10b: {  	v0 =	vadd.f32 v50, v0  }
0x10c: {  	v53 =	vld [tilespmem:s13+$0xEB0]  }
0x10d: {  	v0 =	vadd.f32 v51, v0  }
0x10e: {  	v54 =	vld [tilespmem:s13+$0xF30]  }
0x10f: {  	v0 =	vadd.f32 v52, v0  }
0x110: {  	v55 =	vld [tilespmem:s13+$0xFB0]  }
0x111: {  	v0 =	vadd.f32 v53, v0;
	_ =	sdelay $0x1  }
0x112: {  	v0 =	vadd.f32 v54, v0;
	_ =	sdelay $0x1  }
0x113: {  	v0 =	vadd.f32 v55, v0;
	_ =	sdelay $0x1  }
0x114: {  	[tilespmem:s14+$0x8030] =	vst v0  }
0x115: {  	v0 =	vld [tilespmem:s13+$0x40]  }
0x116: {  	v56 =	vld [tilespmem:s13+$0xC0];
	_ =	sdelay $0x1  }
0x117: {  	v57 =	vld [tilespmem:s13+$0x140];
	_ =	sdelay $0x1  }
0x118: {  	v58 =	vld [tilespmem:s13+$0x1C0]  }
0x119: {  	v0 =	vadd.f32 v56, v0  }
0x11a: {  	v59 =	vld [tilespmem:s13+$0x240]  }
0x11b: {  	v0 =	vadd.f32 v57, v0  }
0x11c: {  	v60 =	vld [tilespmem:s13+$0x2C0]  }
0x11d: {  	v0 =	vadd.f32 v58, v0  }
0x11e: {  	v61 =	vld [tilespmem:s13+$0x340]  }
0x11f: {  	v0 =	vadd.f32 v59, v0  }
0x120: {  	v62 =	vld [tilespmem:s13+$0x3C0]  }
0x121: {  	v0 =	vadd.f32 v60, v0  }
0x122: {  	v63 =	vld [tilespmem:s13+$0x440]  }
0x123: {  	v0 =	vadd.f32 v61, v0  }
0x124: {  	v6 =	vld [tilespmem:s13+$0x4C0]  }
0x125: {  	v0 =	vadd.f32 v62, v0  }
0x126: {  	v7 =	vld [tilespmem:s13+$0x540]  }
0x127: {  	v0 =	vadd.f32 v63, v0  }
0x128: {  	v8 =	vld [tilespmem:s13+$0x5C0]  }
0x129: {  	v0 =	vadd.f32 v6, v0  }
0x12a: {  	v9 =	vld [tilespmem:s13+$0x640]  }
0x12b: {  	v0 =	vadd.f32 v7, v0  }
0x12c: {  	v10 =	vld [tilespmem:s13+$0x6C0]  }
0x12d: {  	v0 =	vadd.f32 v8, v0  }
0x12e: {  	v11 =	vld [tilespmem:s13+$0x740]  }
0x12f: {  	v0 =	vadd.f32 v9, v0  }
0x130: {  	v12 =	vld [tilespmem:s13+$0x7C0]  }
0x131: {  	v0 =	vadd.f32 v10, v0  }
0x132: {  	v13 =	vld [tilespmem:s13+$0x840]  }
0x133: {  	v0 =	vadd.f32 v11, v0  }
0x134: {  	v14 =	vld [tilespmem:s13+$0x8C0]  }
0x135: {  	v0 =	vadd.f32 v12, v0  }
0x136: {  	v15 =	vld [tilespmem:s13+$0x940]  }
0x137: {  	v0 =	vadd.f32 v13, v0  }
0x138: {  	v16 =	vld [tilespmem:s13+$0x9C0]  }
0x139: {  	v0 =	vadd.f32 v14, v0  }
0x13a: {  	v17 =	vld [tilespmem:s13+$0xA40]  }
0x13b: {  	v0 =	vadd.f32 v15, v0  }
0x13c: {  	v18 =	vld [tilespmem:s13+$0xAC0]  }
0x13d: {  	v0 =	vadd.f32 v16, v0  }
0x13e: {  	v19 =	vld [tilespmem:s13+$0xB40]  }
0x13f: {  	v0 =	vadd.f32 v17, v0  }
0x140: {  	v20 =	vld [tilespmem:s13+$0xBC0]  }
0x141: {  	v0 =	vadd.f32 v18, v0  }
0x142: {  	v21 =	vld [tilespmem:s13+$0xC40]  }
0x143: {  	v0 =	vadd.f32 v19, v0  }
0x144: {  	v22 =	vld [tilespmem:s13+$0xCC0]  }
0x145: {  	v0 =	vadd.f32 v20, v0  }
0x146: {  	v23 =	vld [tilespmem:s13+$0xD40]  }
0x147: {  	v0 =	vadd.f32 v21, v0  }
0x148: {  	v24 =	vld [tilespmem:s13+$0xDC0]  }
0x149: {  	v0 =	vadd.f32 v22, v0  }
0x14a: {  	v25 =	vld [tilespmem:s13+$0xE40]  }
0x14b: {  	v0 =	vadd.f32 v23, v0  }
0x14c: {  	v26 =	vld [tilespmem:s13+$0xEC0]  }
0x14d: {  	v0 =	vadd.f32 v24, v0  }
0x14e: {  	v27 =	vld [tilespmem:s13+$0xF40]  }
0x14f: {  	v0 =	vadd.f32 v25, v0  }
0x150: {  	v28 =	vld [tilespmem:s13+$0xFC0]  }
0x151: {  	v0 =	vadd.f32 v26, v0;
	_ =	sdelay $0x1  }
0x152: {  	v0 =	vadd.f32 v27, v0;
	_ =	sdelay $0x1  }
0x153: {  	v0 =	vadd.f32 v28, v0;
	_ =	sdelay $0x1  }
0x154: {  	[tilespmem:s14+$0x8040] =	vst v0  }
0x155: {  	v0 =	vld [tilespmem:s13+$0x50]  }
0x156: {  	v29 =	vld [tilespmem:s13+$0xD0];
	_ =	sdelay $0x1  }
0x157: {  	v30 =	vld [tilespmem:s13+$0x150];
	_ =	sdelay $0x1  }
0x158: {  	v31 =	vld [tilespmem:s13+$0x1D0]  }
0x159: {  	v0 =	vadd.f32 v29, v0  }
0x15a: {  	v32 =	vld [tilespmem:s13+$0x250]  }
0x15b: {  	v0 =	vadd.f32 v30, v0  }
0x15c: {  	v33 =	vld [tilespmem:s13+$0x2D0]  }
0x15d: {  	v0 =	vadd.f32 v31, v0  }
0x15e: {  	v34 =	vld [tilespmem:s13+$0x350]  }
0x15f: {  	v0 =	vadd.f32 v32, v0  }
0x160: {  	v35 =	vld [tilespmem:s13+$0x3D0]  }
0x161: {  	v0 =	vadd.f32 v33, v0  }
0x162: {  	v36 =	vld [tilespmem:s13+$0x450]  }
0x163: {  	v0 =	vadd.f32 v34, v0  }
0x164: {  	v37 =	vld [tilespmem:s13+$0x4D0]  }
0x165: {  	v0 =	vadd.f32 v35, v0  }
0x166: {  	v38 =	vld [tilespmem:s13+$0x550]  }
0x167: {  	v0 =	vadd.f32 v36, v0  }
0x168: {  	v39 =	vld [tilespmem:s13+$0x5D0]  }
0x169: {  	v0 =	vadd.f32 v37, v0  }
0x16a: {  	v40 =	vld [tilespmem:s13+$0x650]  }
0x16b: {  	v0 =	vadd.f32 v38, v0  }
0x16c: {  	v41 =	vld [tilespmem:s13+$0x6D0]  }
0x16d: {  	v0 =	vadd.f32 v39, v0  }
0x16e: {  	v42 =	vld [tilespmem:s13+$0x750]  }
0x16f: {  	v0 =	vadd.f32 v40, v0  }
0x170: {  	v43 =	vld [tilespmem:s13+$0x7D0]  }
0x171: {  	v0 =	vadd.f32 v41, v0  }
0x172: {  	v44 =	vld [tilespmem:s13+$0x850]  }
0x173: {  	v0 =	vadd.f32 v42, v0  }
0x174: {  	v45 =	vld [tilespmem:s13+$0x8D0]  }
0x175: {  	v0 =	vadd.f32 v43, v0  }
0x176: {  	v46 =	vld [tilespmem:s13+$0x950]  }
0x177: {  	v0 =	vadd.f32 v44, v0  }
0x178: {  	v47 =	vld [tilespmem:s13+$0x9D0]  }
0x179: {  	v0 =	vadd.f32 v45, v0  }
0x17a: {  	v48 =	vld [tilespmem:s13+$0xA50]  }
0x17b: {  	v0 =	vadd.f32 v46, v0  }
0x17c: {  	v49 =	vld [tilespmem:s13+$0xAD0]  }
0x17d: {  	v0 =	vadd.f32 v47, v0  }
0x17e: {  	v50 =	vld [tilespmem:s13+$0xB50]  }
0x17f: {  	v0 =	vadd.f32 v48, v0  }
0x180: {  	v51 =	vld [tilespmem:s13+$0xBD0]  }
0x181: {  	v0 =	vadd.f32 v49, v0  }
0x182: {  	v52 =	vld [tilespmem:s13+$0xC50]  }
0x183: {  	v0 =	vadd.f32 v50, v0  }
0x184: {  	v53 =	vld [tilespmem:s13+$0xCD0]  }
0x185: {  	v0 =	vadd.f32 v51, v0  }
0x186: {  	v54 =	vld [tilespmem:s13+$0xD50]  }
0x187: {  	v0 =	vadd.f32 v52, v0  }
0x188: {  	v55 =	vld [tilespmem:s13+$0xDD0]  }
0x189: {  	v0 =	vadd.f32 v53, v0  }
0x18a: {  	v56 =	vld [tilespmem:s13+$0xE50]  }
0x18b: {  	v0 =	vadd.f32 v54, v0  }
0x18c: {  	v57 =	vld [tilespmem:s13+$0xED0]  }
0x18d: {  	v0 =	vadd.f32 v55, v0  }
0x18e: {  	v58 =	vld [tilespmem:s13+$0xF50]  }
0x18f: {  	v0 =	vadd.f32 v56, v0  }
0x190: {  	v59 =	vld [tilespmem:s13+$0xFD0]  }
0x191: {  	v0 =	vadd.f32 v57, v0;
	_ =	sdelay $0x1  }
0x192: {  	v0 =	vadd.f32 v58, v0;
	_ =	sdelay $0x1  }
0x193: {  	v0 =	vadd.f32 v59, v0;
	_ =	sdelay $0x1  }
0x194: {  	[tilespmem:s14+$0x8050] =	vst v0  }
0x195: {  	v0 =	vld [tilespmem:s13+$0x60]  }
0x196: {  	v60 =	vld [tilespmem:s13+$0xE0];
	_ =	sdelay $0x1  }
0x197: {  	v61 =	vld [tilespmem:s13+$0x160];
	_ =	sdelay $0x1  }
0x198: {  	v62 =	vld [tilespmem:s13+$0x1E0]  }
0x199: {  	v0 =	vadd.f32 v60, v0  }
0x19a: {  	v63 =	vld [tilespmem:s13+$0x260]  }
0x19b: {  	v0 =	vadd.f32 v61, v0  }
0x19c: {  	v6 =	vld [tilespmem:s13+$0x2E0]  }
0x19d: {  	v0 =	vadd.f32 v62, v0  }
0x19e: {  	v7 =	vld [tilespmem:s13+$0x360]  }
0x19f: {  	v0 =	vadd.f32 v63, v0  }
0x1a0: {  	v8 =	vld [tilespmem:s13+$0x3E0]  }
0x1a1: {  	v0 =	vadd.f32 v6, v0  }
0x1a2: {  	v9 =	vld [tilespmem:s13+$0x460]  }
0x1a3: {  	v0 =	vadd.f32 v7, v0  }
0x1a4: {  	v10 =	vld [tilespmem:s13+$0x4E0]  }
0x1a5: {  	v0 =	vadd.f32 v8, v0  }
0x1a6: {  	v11 =	vld [tilespmem:s13+$0x560]  }
0x1a7: {  	v0 =	vadd.f32 v9, v0  }
0x1a8: {  	v12 =	vld [tilespmem:s13+$0x5E0]  }
0x1a9: {  	v0 =	vadd.f32 v10, v0  }
0x1aa: {  	v13 =	vld [tilespmem:s13+$0x660]  }
0x1ab: {  	v0 =	vadd.f32 v11, v0  }
0x1ac: {  	v14 =	vld [tilespmem:s13+$0x6E0]  }
0x1ad: {  	v0 =	vadd.f32 v12, v0  }
0x1ae: {  	v15 =	vld [tilespmem:s13+$0x760]  }
0x1af: {  	v0 =	vadd.f32 v13, v0  }
0x1b0: {  	v16 =	vld [tilespmem:s13+$0x7E0]  }
0x1b1: {  	v0 =	vadd.f32 v14, v0  }
0x1b2: {  	v17 =	vld [tilespmem:s13+$0x860]  }
0x1b3: {  	v0 =	vadd.f32 v15, v0  }
0x1b4: {  	v18 =	vld [tilespmem:s13+$0x8E0]  }
0x1b5: {  	v0 =	vadd.f32 v16, v0  }
0x1b6: {  	v19 =	vld [tilespmem:s13+$0x960]  }
0x1b7: {  	v0 =	vadd.f32 v17, v0  }
0x1b8: {  	v20 =	vld [tilespmem:s13+$0x9E0]  }
0x1b9: {  	v0 =	vadd.f32 v18, v0  }
0x1ba: {  	v21 =	vld [tilespmem:s13+$0xA60]  }
0x1bb: {  	v0 =	vadd.f32 v19, v0  }
0x1bc: {  	v22 =	vld [tilespmem:s13+$0xAE0]  }
0x1bd: {  	v0 =	vadd.f32 v20, v0  }
0x1be: {  	v23 =	vld [tilespmem:s13+$0xB60]  }
0x1bf: {  	v0 =	vadd.f32 v21, v0  }
0x1c0: {  	v24 =	vld [tilespmem:s13+$0xBE0]  }
0x1c1: {  	v0 =	vadd.f32 v22, v0  }
0x1c2: {  	v25 =	vld [tilespmem:s13+$0xC60]  }
0x1c3: {  	v0 =	vadd.f32 v23, v0  }
0x1c4: {  	v26 =	vld [tilespmem:s13+$0xCE0]  }
0x1c5: {  	v0 =	vadd.f32 v24, v0  }
0x1c6: {  	v27 =	vld [tilespmem:s13+$0xD60]  }
0x1c7: {  	v0 =	vadd.f32 v25, v0  }
0x1c8: {  	v28 =	vld [tilespmem:s13+$0xDE0]  }
0x1c9: {  	v0 =	vadd.f32 v26, v0  }
0x1ca: {  	v29 =	vld [tilespmem:s13+$0xE60]  }
0x1cb: {  	v0 =	vadd.f32 v27, v0  }
0x1cc: {  	v30 =	vld [tilespmem:s13+$0xEE0]  }
0x1cd: {  	v0 =	vadd.f32 v28, v0  }
0x1ce: {  	v31 =	vld [tilespmem:s13+$0xF60]  }
0x1cf: {  	v0 =	vadd.f32 v29, v0  }
0x1d0: {  	v32 =	vld [tilespmem:s13+$0xFE0]  }
0x1d1: {  	v0 =	vadd.f32 v30, v0;
	_ =	sdelay $0x1  }
0x1d2: {  	v0 =	vadd.f32 v31, v0;
	_ =	sdelay $0x1  }
0x1d3: {  	v0 =	vadd.f32 v32, v0;
	_ =	sdelay $0x1  }
0x1d4: {  	[tilespmem:s14+$0x8060] =	vst v0  }
0x1d5: {  	v0 =	vld [tilespmem:s13+$0x70]  }
0x1d6: {  	v33 =	vld [tilespmem:s13+$0xF0];
	_ =	sdelay $0x1  }
0x1d7: {  	v34 =	vld [tilespmem:s13+$0x170];
	_ =	sdelay $0x1  }
0x1d8: {  	v35 =	vld [tilespmem:s13+$0x1F0]  }
0x1d9: {  	v0 =	vadd.f32 v33, v0  }
0x1da: {  	v36 =	vld [tilespmem:s13+$0x270]  }
0x1db: {  	v0 =	vadd.f32 v34, v0  }
0x1dc: {  	v37 =	vld [tilespmem:s13+$0x2F0]  }
0x1dd: {  	v0 =	vadd.f32 v35, v0  }
0x1de: {  	v38 =	vld [tilespmem:s13+$0x370]  }
0x1df: {  	v0 =	vadd.f32 v36, v0  }
0x1e0: {  	v39 =	vld [tilespmem:s13+$0x3F0]  }
0x1e1: {  	v0 =	vadd.f32 v37, v0  }
0x1e2: {  	v40 =	vld [tilespmem:s13+$0x470]  }
0x1e3: {  	v0 =	vadd.f32 v38, v0  }
0x1e4: {  	v41 =	vld [tilespmem:s13+$0x4F0]  }
0x1e5: {  	v0 =	vadd.f32 v39, v0  }
0x1e6: {  	v42 =	vld [tilespmem:s13+$0x570]  }
0x1e7: {  	v0 =	vadd.f32 v40, v0  }
0x1e8: {  	v43 =	vld [tilespmem:s13+$0x5F0]  }
0x1e9: {  	v0 =	vadd.f32 v41, v0  }
0x1ea: {  	v44 =	vld [tilespmem:s13+$0x670]  }
0x1eb: {  	v0 =	vadd.f32 v42, v0  }
0x1ec: {  	v45 =	vld [tilespmem:s13+$0x6F0]  }
0x1ed: {  	v0 =	vadd.f32 v43, v0  }
0x1ee: {  	v46 =	vld [tilespmem:s13+$0x770]  }
0x1ef: {  	v0 =	vadd.f32 v44, v0  }
0x1f0: {  	v47 =	vld [tilespmem:s13+$0x7F0]  }
0x1f1: {  	v0 =	vadd.f32 v45, v0  }
0x1f2: {  	v48 =	vld [tilespmem:s13+$0x870]  }
0x1f3: {  	v0 =	vadd.f32 v46, v0  }
0x1f4: {  	v49 =	vld [tilespmem:s13+$0x8F0]  }
0x1f5: {  	v0 =	vadd.f32 v47, v0  }
0x1f6: {  	v50 =	vld [tilespmem:s13+$0x970]  }
0x1f7: {  	v0 =	vadd.f32 v48, v0  }
0x1f8: {  	v51 =	vld [tilespmem:s13+$0x9F0]  }
0x1f9: {  	v0 =	vadd.f32 v49, v0  }
0x1fa: {  	v52 =	vld [tilespmem:s13+$0xA70]  }
0x1fb: {  	v0 =	vadd.f32 v50, v0  }
0x1fc: {  	v53 =	vld [tilespmem:s13+$0xAF0]  }
0x1fd: {  	v0 =	vadd.f32 v51, v0  }
0x1fe: {  	v54 =	vld [tilespmem:s13+$0xB70]  }
0x1ff: {  	v0 =	vadd.f32 v52, v0  }
0x200: {  	v55 =	vld [tilespmem:s13+$0xBF0]  }
0x201: {  	v0 =	vadd.f32 v53, v0  }
0x202: {  	v56 =	vld [tilespmem:s13+$0xC70]  }
0x203: {  	v0 =	vadd.f32 v54, v0  }
0x204: {  	v57 =	vld [tilespmem:s13+$0xCF0]  }
0x205: {  	v0 =	vadd.f32 v55, v0  }
0x206: {  	v58 =	vld [tilespmem:s13+$0xD70]  }
0x207: {  	v0 =	vadd.f32 v56, v0  }
0x208: {  	v59 =	vld [tilespmem:s13+$0xDF0]  }
0x209: {  	v0 =	vadd.f32 v57, v0  }
0x20a: {  	v60 =	vld [tilespmem:s13+$0xE70]  }
0x20b: {  	v0 =	vadd.f32 v58, v0  }
0x20c: {  	v61 =	vld [tilespmem:s13+$0xEF0]  }
0x20d: {  	v0 =	vadd.f32 v59, v0  }
0x20e: {  	v62 =	vld [tilespmem:s13+$0xF70]  }
0x20f: {  	v0 =	vadd.f32 v60, v0  }
0x210: {  	v63 =	vld [tilespmem:s13+$0xFF0]  }
0x211: {  	v0 =	vadd.f32 v61, v0  }
0x212: {  	p0 =	sne.s32 s12, $0x7  }
.Ltmp0:
0x213: {  	v0 =	vadd.f32 v62, v0;
	(pc) =	sbr.rel @p0 .LBB2_3-.Ltmp0, $3  }
0x214: {  	_ = 	snop  }
0x215: {  	v0 =	vadd.f32 v63, v0;
	_ =	sdelay $0x1  }
0x216: {  	s12 =	sadd.s32 $0x1, s12;
	[tilespmem:s14+$0x8070] =	vst v0  }
0x217: {  	s10 =	sadd.s32 $0x1, s10  }
0x218: {  	s11 =	sshll.u32 s11, $0x4;
	p0 =	sne.s32 s10, $0x8  }
.Ltmp1:
0x219: {  	s11 =	sadd.s32 s4, s11;
	(pc) =	sbr.rel @p0 .LBB2_2-.Ltmp1, $4  }
0x21a: {  	[hbm4b:s11+s2] =	stream.linear.scatter [tilespmem:s8], [sflag:$0x1], $0x400, $0x38;
	[tilespmem:$0x8400] =	vst v63  }
0x21b: {  	_ =	swait.ge [sflag:s7], $0x400  }
0x21c: {  	[sflag:s7] =	ssyncset.done $0x0  }
0x21d: {  	[sflag:s7] =	ssyncadd.s32 $0xFFFFFC00  }
0x21e: {  	s9 =	sadd.s32 $0x1, s9  }
0x21f: {  	p0 =	sne.s32 s9, s6  }
.Ltmp2:
0x220: {  	_ = 	snop;
	(pc) =	sbr.rel @p0 .LBB2_1-.Ltmp2, $1  }
0x221: {  	_ =	sdelay $0x3  }
0x222: {  	_ =	sfence.sel $0x180000  }
0x223: {  	[bflag:$0x0] =	sbarrier.arrive $0xFFFF  }
0x224: {  	p0 =	sne.s32 s3, $0x0;
	_ =	strace $0x90000047  }
0x225: {  	s0 =	sadd.s32 @!p0 $0x100000, s0;
	[bflag:$0x2] =	sbarrier.arrive $0xFFFF  }
0x226: {  	[sflag:s0] =	ssyncadd.tile.s32 @!p0 $0x1;
	_ =	shalt  }
.Lfunc_end2:
_tile_overlayer_lowered:
.L_overlay_start_2:
0x227: {  	(tag) =	ssettag $0x2  }
0x228: {  	s0 =	rddreg [dreg:$0x0];
	s2 =	stileid.u32  }
0x229: {  	s1 =	rddreg [dreg:$0x1];
	p0 =	sne.s32 s2, $0x0  }
0x22a: {  	s3 =	rddreg [dreg:$0x2];
	[bflag:$0x3] =	sbarrier.arrive $0xFFFF;
	s2 =	simm.s32 @!p0 $0x1C01  }
0x22b: {  	[timem:s3], [sflag:s2] =	dma.local @!p0 [hbm:s0], s1  }
0x22c: {  	s0 =	simm.s32 @!p0 $0x1  }
0x22d: {  	_ =	swait.ge @!p0 [sflag:s0], s1  }
0x22e: {  	s1 =	ssub.s32 @!p0 $0x0, s1;
	[sflag:s0] =	ssyncset.done @!p0 $0x0  }
0x22f: {  	[sflag:s0] =	ssyncadd.s32 @!p0 s1  }
0x230: {  	[bflag:$0x3] =	sbarrier.arrive $0xFFFF  }
0x231: {  	_ =	shalt  }

</sc_bundles>
